<compile_context>
chip_gen: v7x
topology: tpu7x:2x2x1
jax: 0.10.2.dev20260603
libtpu: 0.0.44.dev20260713+nightly
codegen_flags: <defaults>
</compile_context>

<pallas_src>
import functools
import math

import numpy as np
import jax
import jax.numpy as jnp
from jax import lax
from jax.experimental import pallas as pl
from jax.experimental.pallas import tpu as pltpu
from jax.experimental.pallas import tpu_sc as plsc

_C_MID = 16
_K_PEAKS = 2
_ANGLE_BW = math.radians(15.0)
_HIGH_RATIO = 0.3
_ALPHA = 1.2
_BETA = 0.8
_N_BINS = 180
_NBP = 192
_ROWS = 8

_dot = functools.partial(jnp.dot, precision=lax.Precision.HIGHEST,
                         preferred_element_type=jnp.float32)
_dotf = functools.partial(jnp.dot, precision=lax.Precision.DEFAULT,
                          preferred_element_type=jnp.float32)


def _grid_consts(H, W):
    cy, cx = H // 2, W // 2
    y, x = jnp.meshgrid(jnp.arange(H, dtype=jnp.float32),
                        jnp.arange(W, dtype=jnp.float32), indexing='ij')
    r = jnp.sqrt((y - cy) ** 2 + (x - cx) ** 2)
    theta = jnp.arctan2(y - cy, x - cx) + math.pi
    r_max = float(min(cy, cx))
    high_mask = (r > _HIGH_RATIO * r_max).astype(jnp.float32)
    theta_mod = jnp.mod(theta, math.pi)
    bin_edges = jnp.linspace(0.0, math.pi, _N_BINS + 1)
    cnt = jnp.sum((theta_mod[:, :, None] > bin_edges[None, None, :])
                  .astype(jnp.int32), axis=2)
    bin_idx = jnp.clip(cnt - 1, 0, _N_BINS - 1).astype(jnp.int32)
    bin_center = ((bin_edges[:-1] + bin_edges[1:]) / 2.0).reshape(1, _N_BINS)
    m16 = high_mask * jnp.float32(1.0 / _C_MID)
    return theta, high_mask, m16, bin_idx, bin_center


@functools.lru_cache(maxsize=None)
def _consts(H, W):
    assert H == W and H % 2 == 0
    N = H
    kk = (np.arange(N) + N // 2) % N
    ang_f = -2.0 * np.pi * (np.outer(kk, np.arange(N)) % N) / N
    s = 1.0 / np.sqrt(N)
    Ar = (np.cos(ang_f) * s).astype(np.float32)
    Ai = (np.sin(ang_f) * s).astype(np.float32)
    ang_i = 2.0 * np.pi * (np.outer(np.arange(N), kk) % N) / N
    Br = (np.cos(ang_i) * s).astype(np.float32)
    Bi = (np.sin(ang_i) * s).astype(np.float32)

    return dict(
        Ar=Ar, Ai=Ai, ArT=np.ascontiguousarray(Ar.T), AiT=np.ascontiguousarray(Ai.T),
        Br=Br, Bi=Bi, BrT=np.ascontiguousarray(Br.T), BiT=np.ascontiguousarray(Bi.T),
    )


def _proj_in_kernel(w_ref, x_ref, o_ref):
    w = w_ref[...]
    for r in range(_ROWS):
        o_ref[0, :, r, :] = _dotf(w, x_ref[0, :, r, :])


def _fwd_kernel(xp_ref, ar_ref, ai_ref, art_ref, ait_ref, m16_ref,
                zr_ref, zi_ref, ws_ref):
    i = pl.program_id(0)
    c = lax.rem(i, _C_MID)
    X = xp_ref[0, 0]
    Yr = _dotf(ar_ref[...], X)
    Yi = _dotf(ai_ref[...], X)
    Zr = _dotf(Yr, art_ref[...]) - _dotf(Yi, ait_ref[...])
    Zi = _dotf(Yr, ait_ref[...]) + _dotf(Yi, art_ref[...])
    zr_ref[0, 0] = Zr
    zi_ref[0, 0] = Zi
    mag = jnp.sqrt(Zr * Zr + Zi * Zi)

    @pl.when(c == 0)
    def _():
        ws_ref[0] = mag

    @pl.when(c > 0)
    def _():
        ws_ref[0] = ws_ref[0] + mag

    @pl.when(c == _C_MID - 1)
    def _():
        ws_ref[0] = ws_ref[0] * m16_ref[...]


def _make_hist(H, W, n_batch):
    info = plsc.get_sparse_core_info()
    nc, ns = info.num_cores, info.num_subcores
    nw = nc * ns
    per_batch = nw // n_batch
    rpt = H // per_batch
    cpr = W // 16
    mesh = plsc.VectorSubcoreMesh(core_axis_name="c", subcore_axis_name="s")

    @functools.partial(
        pl.kernel, mesh=mesh,
        out_type=jax.ShapeDtypeStruct((nw, _NBP), jnp.float32),
        compiler_params=pltpu.CompilerParams(needs_layout_passes=False),
        scratch_types=[
            pltpu.VMEM((rpt, W), jnp.int32),
            pltpu.VMEM((rpt, W), jnp.float32),
            pltpu.VMEM((_NBP,), jnp.float32),
        ],
    )
    def hist(w_hbm, idx_hbm, out_hbm, idx_v, w_v, acc_v):
        wid = lax.axis_index("s") * nc + lax.axis_index("c")
        b = lax.div(wid, per_batch)
        r0 = lax.rem(wid, per_batch) * rpt
        pltpu.sync_copy(idx_hbm.at[pl.ds(r0, rpt)], idx_v)
        pltpu.sync_copy(w_hbm.at[b, pl.ds(r0, rpt)], w_v)
        for t in range(_NBP // 16):
            acc_v[pl.ds(t * 16, 16)] = jnp.zeros((16,), jnp.float32)

        def body(r, carry):
            for cix in range(cpr):
                idx16 = idx_v[r, pl.ds(cix * 16, 16)]
                w16 = w_v[r, pl.ds(cix * 16, 16)]
                plsc.addupdate_scatter(acc_v, [idx16], w16)
            return carry

        lax.fori_loop(0, rpt, body, 0)
        pltpu.sync_copy(acc_v, out_hbm.at[wid])

    return hist


def _histogram(ws, bin_idx, H, W, n_batch):
    return _make_hist(H, W, n_batch)(ws, bin_idx)


def _peaks_kernel(part_ref, bc_ref, pa_ref):
    e_full = part_ref[:, 0, :]
    for t in range(1, part_ref.shape[1]):
        e_full = e_full + part_ref[:, t, :]
    e = e_full[:, :_N_BINS]
    B = e.shape[0]
    zcol = jnp.zeros((B, 1), jnp.float32)
    left = jnp.concatenate([zcol, e[:, :-1]], axis=1)
    right = jnp.concatenate([e[:, 1:], zcol], axis=1)
    es = 0.25 * left + 0.5 * e + 0.25 * right
    mean_e = jnp.mean(es, axis=1, keepdims=True)
    prev = jnp.concatenate([es[:, _N_BINS - 1:], es[:, :_N_BINS - 1]], axis=1)
    nxt = jnp.concatenate([es[:, 1:], es[:, :1]], axis=1)
    is_peak = (es > mean_e) & (es > prev) & (es > nxt)
    npk = jnp.sum(is_peak.astype(jnp.int32), axis=1, keepdims=True)
    ninf = jnp.float32(-jnp.inf)
    pinf = jnp.float32(jnp.inf)
    masked = jnp.where(is_peak, es, ninf)
    iota = lax.broadcasted_iota(jnp.int32, (B, _N_BINS), 1)
    top1 = jnp.argmax(masked, axis=1, keepdims=True).astype(jnp.int32)
    masked2 = jnp.where(iota == top1, ninf, masked)
    top2 = jnp.argmax(masked2, axis=1, keepdims=True).astype(jnp.int32)
    keymin = jnp.where(is_peak, es, pinf)
    minval = jnp.min(keymin, axis=1, keepdims=True)
    lastv = jnp.max(jnp.where(is_peak & (keymin == minval), iota, -1),
                    axis=1, keepdims=True)
    amax = jnp.argmax(es, axis=1, keepdims=True).astype(jnp.int32)
    sel0 = jnp.where(npk >= 1, top1, amax)
    sel1 = jnp.where(npk >= 2, top2, jnp.where(npk == 1, lastv, amax))
    bc = bc_ref[...]
    pa0 = jnp.sum(jnp.where(iota == sel0, bc, 0.0), axis=1, keepdims=True)
    pa1 = jnp.sum(jnp.where(iota == sel1, bc, 0.0), axis=1, keepdims=True)
    pa_ref[...] = jnp.concatenate([pa0, pa1], axis=1)


def _gain_inv_kernel(zr_ref, zi_ref, br_ref, bi_ref, brt_ref, bit_ref,
                     th_ref, hm_ref, pa_ref, xo_ref):
    i = pl.program_id(0)
    bb = lax.div(i, _C_MID)
    pav = pa_ref[...]
    p0 = jnp.where(bb == 0, pav[0, 0], pav[1, 0])
    p1 = jnp.where(bb == 0, pav[0, 1], pav[1, 1])
    th = th_ref[...]
    hm = hm_ref[...]
    bw = jnp.float32(_ANGLE_BW)
    pi32 = jnp.float32(math.pi)

    def region(p):
        d = jnp.abs(th - p)
        d = jnp.minimum(d, pi32 - d)
        return d <= bw

    hmb = hm > 0
    r01 = (region(p0) | region(p1)) & hmb
    gain = jnp.where(r01, jnp.float32(_ALPHA),
                     jnp.where(hmb, jnp.float32(_BETA), jnp.float32(1.0)))
    Er = zr_ref[0, 0] * gain
    Ei = zi_ref[0, 0] * gain
    Tr = _dotf(Er, brt_ref[...]) - _dotf(Ei, bit_ref[...])
    Ti = _dotf(Er, bit_ref[...]) + _dotf(Ei, brt_ref[...])
    xo_ref[0, 0] = _dotf(br_ref[...], Tr) - _dotf(bi_ref[...], Ti)


def _proj_out_kernel(w_ref, xo_ref, x_ref, o_ref):
    w = w_ref[...]
    for r in range(_ROWS):
        o_ref[0, :, r, :] = _dotf(w, xo_ref[0, :, r, :]) + x_ref[0, :, r, :]


def kernel(x, W_in, W_out):
    B, C, H, W = x.shape
    cst = _consts(H, W)
    theta, high_mask, m16, bin_idx, bin_center = _grid_consts(H, W)
    n_rb = H // _ROWS

    xp = pl.pallas_call(
        _proj_in_kernel,
        grid=(B, n_rb),
        in_specs=[
            pl.BlockSpec((_C_MID, C), lambda b, j: (0, 0)),
            pl.BlockSpec((1, C, _ROWS, W), lambda b, j: (b, 0, j, 0)),
        ],
        out_specs=pl.BlockSpec((1, _C_MID, _ROWS, W), lambda b, j: (b, 0, j, 0)),
        out_shape=jax.ShapeDtypeStruct((B, _C_MID, H, W), jnp.float32),
    )(W_in, x)

    Ar = jnp.asarray(cst['Ar'])
    Ai = jnp.asarray(cst['Ai'])
    ArT = jnp.asarray(cst['ArT'])
    AiT = jnp.asarray(cst['AiT'])
    full = pl.BlockSpec((H, W), lambda i: (0, 0))
    img = pl.BlockSpec((1, 1, H, W), lambda i: (i // _C_MID, i % _C_MID, 0, 0))
    zr, zi, ws = pl.pallas_call(
        _fwd_kernel,
        grid=(B * _C_MID,),
        in_specs=[img, full, full, full, full, full],
        out_specs=[img, img,
                   pl.BlockSpec((1, H, W), lambda i: (i // _C_MID, 0, 0))],
        out_shape=[
            jax.ShapeDtypeStruct((B, _C_MID, H, W), jnp.float32),
            jax.ShapeDtypeStruct((B, _C_MID, H, W), jnp.float32),
            jax.ShapeDtypeStruct((B, H, W), jnp.float32),
        ],
    )(xp, Ar, Ai, ArT, AiT, m16)

    partials = _histogram(ws, bin_idx, H, W, B)
    part3 = partials.reshape(B, partials.shape[0] // B, _NBP)

    pa = pl.pallas_call(
        _peaks_kernel,
        out_shape=jax.ShapeDtypeStruct((B, _K_PEAKS), jnp.float32),
    )(part3, bin_center)

    Br = jnp.asarray(cst['Br'])
    Bi = jnp.asarray(cst['Bi'])
    BrT = jnp.asarray(cst['BrT'])
    BiT = jnp.asarray(cst['BiT'])
    pa_spec = pl.BlockSpec((B, _K_PEAKS), lambda i: (0, 0))
    xo = pl.pallas_call(
        _gain_inv_kernel,
        grid=(B * _C_MID,),
        in_specs=[img, img, full, full, full, full, full, full, pa_spec],
        out_specs=img,
        out_shape=jax.ShapeDtypeStruct((B, _C_MID, H, W), jnp.float32),
    )(zr, zi, Br, Bi, BrT, BiT, theta, high_mask, pa)

    out = pl.pallas_call(
        _proj_out_kernel,
        grid=(B, n_rb),
        in_specs=[
            pl.BlockSpec((C, _C_MID), lambda b, j: (0, 0)),
            pl.BlockSpec((1, _C_MID, _ROWS, W), lambda b, j: (b, 0, j, 0)),
            pl.BlockSpec((1, C, _ROWS, W), lambda b, j: (b, 0, j, 0)),
        ],
        out_specs=pl.BlockSpec((1, C, _ROWS, W), lambda b, j: (b, 0, j, 0)),
        out_shape=jax.ShapeDtypeStruct((B, C, H, W), jnp.float32),
    )(W_out, xo, x)

    return out

# --- scband reference (transcript-rebuilt; emitter-appended) ---
"""Pipeline reference for scband-angle-freq-enhance-74019466379690 (READ-ONLY COPY).

The authoritative reference and input builder live on the scoring server;
editing this copy changes nothing except your own understanding.
"""

import math
import jax
import jax.numpy as jnp
import numpy as np

IN_CH = 256
C_MID = 16
K_PEAKS = 2
ANGLE_BW_DEG = 15.0
HIGH_RATIO = 0.3
LOW_RATIO = 0.2
ALPHA = 1.2
BETA = 0.8
STRATEGY = 'small'
RESIDUAL = True
N_BINS = 180


def _grids(H, W):
    cy, cx = H // 2, W // 2
    y, x = jnp.meshgrid(jnp.arange(H, dtype=jnp.float32), jnp.arange(W, dtype=jnp.float32), indexing='ij')
    r = jnp.sqrt((y - cy) ** 2 + (x - cx) ** 2)
    theta = jnp.arctan2(y - cy, x - cx) + math.pi
    return theta, r, float(min(cy, cx))


def _peak_directions(mag, theta, r, r_max):
    # mag: [B, C_mid, H, W] fftshifted magnitude
    B = mag.shape[0]
    theta_mod = jnp.mod(theta, math.pi)
    high_mask = (r > HIGH_RATIO * r_max).astype(jnp.float32)
    bin_edges = jnp.linspace(0.0, math.pi, N_BINS + 1)
    mag_avg = mag.mean(axis=1)
    weighted = (mag_avg * high_mask).reshape(B, -1)
    # torch.bucketize(right=False) == searchsorted side='left'
    bin_idx = jnp.clip(jnp.searchsorted(bin_edges, theta_mod.reshape(-1), side='left') - 1, 0, N_BINS - 1)
    energy = jax.vmap(lambda w: jax.ops.segment_sum(w, bin_idx, num_segments=N_BINS))(weighted)
    kernel = jnp.array([0.25, 0.5, 0.25], dtype=jnp.float32)
    bin_center = (bin_edges[:-1] + bin_edges[1:]) / 2.0
    peaks = []
    for b in range(B):
        e_smooth = jnp.convolve(energy[b], kernel, mode='same')  # symmetric kernel == conv1d pad=1
        mean_e = e_smooth.mean()
        is_peak = (e_smooth > mean_e) & (e_smooth > jnp.roll(e_smooth, 1)) & (e_smooth > jnp.roll(e_smooth, -1))
        n_peaks = jnp.sum(is_peak)
        masked_vals = jnp.where(is_peak, e_smooth, -jnp.inf)
        order = jnp.argsort(-masked_vals)
        topk = order[:K_PEAKS]
        last_valid = order[jnp.clip(n_peaks - 1, 0, N_BINS - 1)]
        slots = jnp.arange(K_PEAKS)
        sel = jnp.where(slots < n_peaks, topk, last_valid)
        sel = jnp.where(n_peaks > 0, sel, jnp.argmax(e_smooth))
        pa = bin_center[sel]
        peaks.append(pa)
    return jnp.stack(peaks, axis=0)  # [B, K_PEAKS]


def _gain_map(B, H, W, peak_angles, theta, r, r_max):
    bw = math.radians(ANGLE_BW_DEG)
    high_mask = (r > HIGH_RATIO * r_max).astype(jnp.float32)
    low_mask = (r <= LOW_RATIO * r_max).astype(jnp.float32)
    gains = []
    for b in range(B):
        g = jnp.ones((H, W), jnp.float32)
        em = jnp.zeros((H, W), jnp.float32)
        for i in range(K_PEAKS):
            p = peak_angles[b, i]
            if STRATEGY == 'small':
                d = jnp.abs(theta - p)
                d = jnp.minimum(d, math.pi - d)
                region = (d <= bw).astype(jnp.float32) * high_mask
            else:
                perp = jnp.mod(p + math.pi / 2.0, math.pi)
                d = jnp.abs(theta - perp)
                d = jnp.minimum(d, math.pi - d)
                region = (d <= bw).astype(jnp.float32) * low_mask
            g = jnp.where(region > 0, ALPHA, g)
            em = jnp.maximum(em, region)
        other_high = high_mask * (1.0 - em)
        g = g * (1.0 - other_high) + other_high * BETA
        gains.append(g)
    # gain is channel-independent; broadcast over C_mid
    return jnp.stack(gains, axis=0)[:, None, :, :]


def setup_inputs(seed: int = 0) -> dict:
    key = jax.random.key(seed)
    k1, k2, k3 = jax.random.split(key, 3)
    x = jax.random.normal(k1, (2, IN_CH, 384, 384), dtype=jnp.float32)
    W_in = jax.random.normal(k2, (C_MID, IN_CH), dtype=jnp.float32) * 0.05   # proj_in 1x1 conv weight
    W_out = jax.random.normal(k3, (IN_CH, C_MID), dtype=jnp.float32) * 0.05  # proj_out 1x1 conv weight
    return {"x": x, "W_in": W_in, "W_out": W_out}


def reference(x, W_in, W_out):
    B, C, H, W = x.shape
    theta, r, r_max = _grids(H, W)
    x_proj = jnp.einsum('bchw,oc->bohw', x, W_in)            # 1x1 conv, no bias
    x_fft = jnp.fft.fft2(x_proj, norm='ortho')
    x_shift = jnp.fft.fftshift(x_fft, axes=(-2, -1))
    mag = jnp.abs(x_shift)
    peak_angles = _peak_directions(mag, theta, r, r_max)
    gain = _gain_map(B, H, W, peak_angles, theta, r, r_max)
    enhanced = x_shift * gain
    x_ishift = jnp.fft.ifftshift(enhanced, axes=(-2, -1))
    x_out = jnp.real(jnp.fft.ifft2(x_ishift, norm='ortho'))
    out = jnp.einsum('bchw,oc->bohw', x_out, W_out)          # 1x1 conv, no bias
    if RESIDUAL:
        out = out + x
    return out

if __name__ == "__main__":
    import jax
    _d = setup_inputs()
    print(jax.jit(kernel)(*tuple(_d.values())))

</pallas_src>

<mosaic_0001>
#map = affine_map<(d0, d1) -> (0, 0, 0)>
#map1 = affine_map<(d0, d1) -> (0, 0)>
module attributes {stable_mosaic.version = 14 : i64} {
  func.func @hist(%arg0: i32, %arg1: i32, %arg2: memref<2x384x384xf32, #tpu.memory_space<hbm>>, %arg3: memref<384x384xi32, #tpu.memory_space<hbm>>, %arg4: memref<32x192xf32, #tpu.memory_space<hbm>>, %arg5: memref<24x384xi32, #tpu.memory_space<vmem>>, %arg6: memref<24x384xf32, #tpu.memory_space<vmem>>, %arg7: memref<192xf32, #tpu.memory_space<vmem>>) attributes {dimension_semantics = [#tpu.dimension_semantics<core_parallel>, #tpu.dimension_semantics<subcore_parallel>], iteration_bounds = array<i64: 2, 16>, scalar_prefetch = 0 : i64, scratch_operands = 3 : i64, tpu.core_type = #tpu.core_type<sc_vector_subcore>, window_params = [{transform_indices = #map}, {transform_indices = #map1}, {transform_indices = #map1}]} {
    %mul3A = arith.constant 2 : i32
    %mul3A_0 = arith.muli %arg1, %mul3A : i32
    %add3A = arith.addi %mul3A_0, %arg0 : i32
    %div3A = arith.constant 16 : i32
    %div3A_1 = arith.divsi %add3A, %div3A : i32
    %rem3A = arith.constant 16 : i32
    %rem3A_2 = arith.remsi %add3A, %rem3A : i32
    %mul3A_3 = arith.constant 24 : i32
    %mul3A_4 = arith.muli %rem3A_2, %mul3A_3 : i32
    "tpu.region"() ({
      %run_scoped3A = tpu.sem_alloc : memref<!tpu.dma_semaphore, #tpu.memory_space<semaphore_mem>>
      %dma_start3A = arith.constant 0 : i32
      %dma_start3A_56 = tpu.memref_slice %arg3[%mul3A_4, %dma_start3A] : memref<384x384xi32, #tpu.memory_space<hbm>> -> memref<24x384xi32, #tpu.memory_space<hbm>>
      %dma_start3A_57 = arith.constant 0 : i32
      %dma_start3A_58 = tpu.memref_slice %arg3[%mul3A_4, %dma_start3A_57] : memref<384x384xi32, #tpu.memory_space<hbm>> -> memref<24x384xi32, #tpu.memory_space<hbm>>
      tpu.enqueue_dma source(%dma_start3A_58 : memref<24x384xi32, #tpu.memory_space<hbm>>) target(%arg5 : memref<24x384xi32, #tpu.memory_space<vmem>>) target_semaphore(%run_scoped3A : memref<!tpu.dma_semaphore, #tpu.memory_space<semaphore_mem>>)
      %dma_wait3A = arith.constant 0 : i32
      %dma_wait3A_59 = tpu.memref_slice %arg3[%mul3A_4, %dma_wait3A] : memref<384x384xi32, #tpu.memory_space<hbm>> -> memref<24x384xi32, #tpu.memory_space<hbm>>
      %dma_wait3A_60 = arith.constant 0 : i32
      %dma_wait3A_61 = tpu.memref_slice %arg3[%mul3A_4, %dma_wait3A_60] : memref<384x384xi32, #tpu.memory_space<hbm>> -> memref<24x384xi32, #tpu.memory_space<hbm>>
      tpu.wait_dma2 semaphore(%run_scoped3A : memref<!tpu.dma_semaphore, #tpu.memory_space<semaphore_mem>>) src(%dma_wait3A_61 : memref<24x384xi32, #tpu.memory_space<hbm>>) dst(%arg5 : memref<24x384xi32, #tpu.memory_space<vmem>>)
      tpu.yield
    }) : () -> ()
    "tpu.region"() ({
      %run_scoped3A = tpu.sem_alloc : memref<!tpu.dma_semaphore, #tpu.memory_space<semaphore_mem>>
      %dma_start3A = arith.constant 0 : i32
      %dma_start3A_56 = tpu.memref_slice %arg2[%div3A_1, %mul3A_4, %dma_start3A] : memref<2x384x384xf32, #tpu.memory_space<hbm>> -> memref<1x24x384xf32, #tpu.memory_space<hbm>>
      %dma_start3A_57 = tpu.memref_squeeze %dma_start3A_56 : memref<1x24x384xf32, #tpu.memory_space<hbm>> -> memref<24x384xf32, #tpu.memory_space<hbm>>
      %dma_start3A_58 = arith.constant 0 : i32
      %dma_start3A_59 = tpu.memref_slice %arg2[%div3A_1, %mul3A_4, %dma_start3A_58] : memref<2x384x384xf32, #tpu.memory_space<hbm>> -> memref<1x24x384xf32, #tpu.memory_space<hbm>>
      %dma_start3A_60 = tpu.memref_squeeze %dma_start3A_59 : memref<1x24x384xf32, #tpu.memory_space<hbm>> -> memref<24x384xf32, #tpu.memory_space<hbm>>
      tpu.enqueue_dma source(%dma_start3A_60 : memref<24x384xf32, #tpu.memory_space<hbm>>) target(%arg6 : memref<24x384xf32, #tpu.memory_space<vmem>>) target_semaphore(%run_scoped3A : memref<!tpu.dma_semaphore, #tpu.memory_space<semaphore_mem>>)
      %dma_wait3A = arith.constant 0 : i32
      %dma_wait3A_61 = tpu.memref_slice %arg2[%div3A_1, %mul3A_4, %dma_wait3A] : memref<2x384x384xf32, #tpu.memory_space<hbm>> -> memref<1x24x384xf32, #tpu.memory_space<hbm>>
      %dma_wait3A_62 = tpu.memref_squeeze %dma_wait3A_61 : memref<1x24x384xf32, #tpu.memory_space<hbm>> -> memref<24x384xf32, #tpu.memory_space<hbm>>
      %dma_wait3A_63 = arith.constant 0 : i32
      %dma_wait3A_64 = tpu.memref_slice %arg2[%div3A_1, %mul3A_4, %dma_wait3A_63] : memref<2x384x384xf32, #tpu.memory_space<hbm>> -> memref<1x24x384xf32, #tpu.memory_space<hbm>>
      %dma_wait3A_65 = tpu.memref_squeeze %dma_wait3A_64 : memref<1x24x384xf32, #tpu.memory_space<hbm>> -> memref<24x384xf32, #tpu.memory_space<hbm>>
      tpu.wait_dma2 semaphore(%run_scoped3A : memref<!tpu.dma_semaphore, #tpu.memory_space<semaphore_mem>>) src(%dma_wait3A_65 : memref<24x384xf32, #tpu.memory_space<hbm>>) dst(%arg6 : memref<24x384xf32, #tpu.memory_space<vmem>>)
      tpu.yield
    }) : () -> ()
    %broadcast_in_dim3A = arith.constant 0.000000e+00 : f32
    %broadcast_in_dim3A_5 = vector.broadcast %broadcast_in_dim3A : f32 to vector<16xf32>
    %swap3A = arith.constant 0 : index
    %swap3A_6 = tpu.vector_load %arg7[%swap3A] {strides = array<i32>} : memref<192xf32, #tpu.memory_space<vmem>>, vector<16xf32>,
    tpu.vector_store %arg7[%swap3A], %broadcast_in_dim3A_5 {strides = array<i32>} : memref<192xf32, #tpu.memory_space<vmem>>, vector<16xf32>,
    %broadcast_in_dim3A_7 = arith.constant 0.000000e+00 : f32
    %broadcast_in_dim3A_8 = vector.broadcast %broadcast_in_dim3A_7 : f32 to vector<16xf32>
    %swap3A_9 = arith.constant 16 : index
    %swap3A_10 = tpu.vector_load %arg7[%swap3A_9] {strides = array<i32>} : memref<192xf32, #tpu.memory_space<vmem>>, vector<16xf32>,
    tpu.vector_store %arg7[%swap3A_9], %broadcast_in_dim3A_8 {strides = array<i32>} : memref<192xf32, #tpu.memory_space<vmem>>, vector<16xf32>,
    %broadcast_in_dim3A_11 = arith.constant 0.000000e+00 : f32
    %broadcast_in_dim3A_12 = vector.broadcast %broadcast_in_dim3A_11 : f32 to vector<16xf32>
    %swap3A_13 = arith.constant 32 : index
    %swap3A_14 = tpu.vector_load %arg7[%swap3A_13] {strides = array<i32>} : memref<192xf32, #tpu.memory_space<vmem>>, vector<16xf32>,
    tpu.vector_store %arg7[%swap3A_13], %broadcast_in_dim3A_12 {strides = array<i32>} : memref<192xf32, #tpu.memory_space<vmem>>, vector<16xf32>,
    %broadcast_in_dim3A_15 = arith.constant 0.000000e+00 : f32
    %broadcast_in_dim3A_16 = vector.broadcast %broadcast_in_dim3A_15 : f32 to vector<16xf32>
    %swap3A_17 = arith.constant 48 : index
    %swap3A_18 = tpu.vector_load %arg7[%swap3A_17] {strides = array<i32>} : memref<192xf32, #tpu.memory_space<vmem>>, vector<16xf32>,
    tpu.vector_store %arg7[%swap3A_17], %broadcast_in_dim3A_16 {strides = array<i32>} : memref<192xf32, #tpu.memory_space<vmem>>, vector<16xf32>,
    %broadcast_in_dim3A_19 = arith.constant 0.000000e+00 : f32
    %broadcast_in_dim3A_20 = vector.broadcast %broadcast_in_dim3A_19 : f32 to vector<16xf32>
    %swap3A_21 = arith.constant 64 : index
    %swap3A_22 = tpu.vector_load %arg7[%swap3A_21] {strides = array<i32>} : memref<192xf32, #tpu.memory_space<vmem>>, vector<16xf32>,
    tpu.vector_store %arg7[%swap3A_21], %broadcast_in_dim3A_20 {strides = array<i32>} : memref<192xf32, #tpu.memory_space<vmem>>, vector<16xf32>,
    %broadcast_in_dim3A_23 = arith.constant 0.000000e+00 : f32
    %broadcast_in_dim3A_24 = vector.broadcast %broadcast_in_dim3A_23 : f32 to vector<16xf32>
    %swap3A_25 = arith.constant 80 : index
    %swap3A_26 = tpu.vector_load %arg7[%swap3A_25] {strides = array<i32>} : memref<192xf32, #tpu.memory_space<vmem>>, vector<16xf32>,
    tpu.vector_store %arg7[%swap3A_25], %broadcast_in_dim3A_24 {strides = array<i32>} : memref<192xf32, #tpu.memory_space<vmem>>, vector<16xf32>,
    %broadcast_in_dim3A_27 = arith.constant 0.000000e+00 : f32
    %broadcast_in_dim3A_28 = vector.broadcast %broadcast_in_dim3A_27 : f32 to vector<16xf32>
    %swap3A_29 = arith.constant 96 : index
    %swap3A_30 = tpu.vector_load %arg7[%swap3A_29] {strides = array<i32>} : memref<192xf32, #tpu.memory_space<vmem>>, vector<16xf32>,
    tpu.vector_store %arg7[%swap3A_29], %broadcast_in_dim3A_28 {strides = array<i32>} : memref<192xf32, #tpu.memory_space<vmem>>, vector<16xf32>,
    %broadcast_in_dim3A_31 = arith.constant 0.000000e+00 : f32
    %broadcast_in_dim3A_32 = vector.broadcast %broadcast_in_dim3A_31 : f32 to vector<16xf32>
    %swap3A_33 = arith.constant 112 : index
    %swap3A_34 = tpu.vector_load %arg7[%swap3A_33] {strides = array<i32>} : memref<192xf32, #tpu.memory_space<vmem>>, vector<16xf32>,
    tpu.vector_store %arg7[%swap3A_33], %broadcast_in_dim3A_32 {strides = array<i32>} : memref<192xf32, #tpu.memory_space<vmem>>, vector<16xf32>,
    %broadcast_in_dim3A_35 = arith.constant 0.000000e+00 : f32
    %broadcast_in_dim3A_36 = vector.broadcast %broadcast_in_dim3A_35 : f32 to vector<16xf32>
    %swap3A_37 = arith.constant 128 : index
    %swap3A_38 = tpu.vector_load %arg7[%swap3A_37] {strides = array<i32>} : memref<192xf32, #tpu.memory_space<vmem>>, vector<16xf32>,
    tpu.vector_store %arg7[%swap3A_37], %broadcast_in_dim3A_36 {strides = array<i32>} : memref<192xf32, #tpu.memory_space<vmem>>, vector<16xf32>,
    %broadcast_in_dim3A_39 = arith.constant 0.000000e+00 : f32
    %broadcast_in_dim3A_40 = vector.broadcast %broadcast_in_dim3A_39 : f32 to vector<16xf32>
    %swap3A_41 = arith.constant 144 : index
    %swap3A_42 = tpu.vector_load %arg7[%swap3A_41] {strides = array<i32>} : memref<192xf32, #tpu.memory_space<vmem>>, vector<16xf32>,
    tpu.vector_store %arg7[%swap3A_41], %broadcast_in_dim3A_40 {strides = array<i32>} : memref<192xf32, #tpu.memory_space<vmem>>, vector<16xf32>,
    %broadcast_in_dim3A_43 = arith.constant 0.000000e+00 : f32
    %broadcast_in_dim3A_44 = vector.broadcast %broadcast_in_dim3A_43 : f32 to vector<16xf32>
    %swap3A_45 = arith.constant 160 : index
    %swap3A_46 = tpu.vector_load %arg7[%swap3A_45] {strides = array<i32>} : memref<192xf32, #tpu.memory_space<vmem>>, vector<16xf32>,
    tpu.vector_store %arg7[%swap3A_45], %broadcast_in_dim3A_44 {strides = array<i32>} : memref<192xf32, #tpu.memory_space<vmem>>, vector<16xf32>,
    %broadcast_in_dim3A_47 = arith.constant 0.000000e+00 : f32
    %broadcast_in_dim3A_48 = vector.broadcast %broadcast_in_dim3A_47 : f32 to vector<16xf32>
    %swap3A_49 = arith.constant 176 : index
    %swap3A_50 = tpu.vector_load %arg7[%swap3A_49] {strides = array<i32>} : memref<192xf32, #tpu.memory_space<vmem>>, vector<16xf32>,
    tpu.vector_store %arg7[%swap3A_49], %broadcast_in_dim3A_48 {strides = array<i32>} : memref<192xf32, #tpu.memory_space<vmem>>, vector<16xf32>,
    %scan3A = arith.constant 0 : i32
    %scan3A_51 = arith.constant 0 : i32
    %scan3A_52 = arith.constant 24 : i32
    %scan3A_53 = arith.addi %scan3A_51, %scan3A_52 : i32
    %scan3A_54 = arith.constant 1 : i32
    scf.for %scan3A_56 = %scan3A_51 to %scan3A_53 step %scan3A_54  : i32 {
      %get3A = arith.index_cast %scan3A_56 : i32 to index
      %get3A_57 = arith.constant 0 : index
      %get3A_58 = tpu.vector_load %arg5[%get3A, %get3A_57] {strides = array<i32>} : memref<24x384xi32, #tpu.memory_space<vmem>>, vector<16xi32>,
      %get3A_59 = arith.index_cast %scan3A_56 : i32 to index
      %get3A_60 = arith.constant 0 : index
      %get3A_61 = tpu.vector_load %arg6[%get3A_59, %get3A_60] {strides = array<i32>} : memref<24x384xf32, #tpu.memory_space<vmem>>, vector<16xf32>,
      tpu.vector_store_idx %arg7[%get3A_58], %get3A_61 {add = true} : memref<192xf32, #tpu.memory_space<vmem>>[vector<16xi32>], vector<16xf32>,
      %get3A_62 = arith.index_cast %scan3A_56 : i32 to index
      %get3A_63 = arith.constant 16 : index
      %get3A_64 = tpu.vector_load %arg5[%get3A_62, %get3A_63] {strides = array<i32>} : memref<24x384xi32, #tpu.memory_space<vmem>>, vector<16xi32>,
      %get3A_65 = arith.index_cast %scan3A_56 : i32 to index
      %get3A_66 = arith.constant 16 : index
      %get3A_67 = tpu.vector_load %arg6[%get3A_65, %get3A_66] {strides = array<i32>} : memref<24x384xf32, #tpu.memory_space<vmem>>, vector<16xf32>,
      tpu.vector_store_idx %arg7[%get3A_64], %get3A_67 {add = true} : memref<192xf32, #tpu.memory_space<vmem>>[vector<16xi32>], vector<16xf32>,
      %get3A_68 = arith.index_cast %scan3A_56 : i32 to index
      %get3A_69 = arith.constant 32 : index
      %get3A_70 = tpu.vector_load %arg5[%get3A_68, %get3A_69] {strides = array<i32>} : memref<24x384xi32, #tpu.memory_space<vmem>>, vector<16xi32>,
      %get3A_71 = arith.index_cast %scan3A_56 : i32 to index
      %get3A_72 = arith.constant 32 : index
      %get3A_73 = tpu.vector_load %arg6[%get3A_71, %get3A_72] {strides = array<i32>} : memref<24x384xf32, #tpu.memory_space<vmem>>, vector<16xf32>,
      tpu.vector_store_idx %arg7[%get3A_70], %get3A_73 {add = true} : memref<192xf32, #tpu.memory_space<vmem>>[vector<16xi32>], vector<16xf32>,
      %get3A_74 = arith.index_cast %scan3A_56 : i32 to index
      %get3A_75 = arith.constant 48 : index
      %get3A_76 = tpu.vector_load %arg5[%get3A_74, %get3A_75] {strides = array<i32>} : memref<24x384xi32, #tpu.memory_space<vmem>>, vector<16xi32>,
      %get3A_77 = arith.index_cast %scan3A_56 : i32 to index
      %get3A_78 = arith.constant 48 : index
      %get3A_79 = tpu.vector_load %arg6[%get3A_77, %get3A_78] {strides = array<i32>} : memref<24x384xf32, #tpu.memory_space<vmem>>, vector<16xf32>,
      tpu.vector_store_idx %arg7[%get3A_76], %get3A_79 {add = true} : memref<192xf32, #tpu.memory_space<vmem>>[vector<16xi32>], vector<16xf32>,
      %get3A_80 = arith.index_cast %scan3A_56 : i32 to index
      %get3A_81 = arith.constant 64 : index
      %get3A_82 = tpu.vector_load %arg5[%get3A_80, %get3A_81] {strides = array<i32>} : memref<24x384xi32, #tpu.memory_space<vmem>>, vector<16xi32>,
      %get3A_83 = arith.index_cast %scan3A_56 : i32 to index
      %get3A_84 = arith.constant 64 : index
      %get3A_85 = tpu.vector_load %arg6[%get3A_83, %get3A_84] {strides = array<i32>} : memref<24x384xf32, #tpu.memory_space<vmem>>, vector<16xf32>,
      tpu.vector_store_idx %arg7[%get3A_82], %get3A_85 {add = true} : memref<192xf32, #tpu.memory_space<vmem>>[vector<16xi32>], vector<16xf32>,
      %get3A_86 = arith.index_cast %scan3A_56 : i32 to index
      %get3A_87 = arith.constant 80 : index
      %get3A_88 = tpu.vector_load %arg5[%get3A_86, %get3A_87] {strides = array<i32>} : memref<24x384xi32, #tpu.memory_space<vmem>>, vector<16xi32>,
      %get3A_89 = arith.index_cast %scan3A_56 : i32 to index
      %get3A_90 = arith.constant 80 : index
      %get3A_91 = tpu.vector_load %arg6[%get3A_89, %get3A_90] {strides = array<i32>} : memref<24x384xf32, #tpu.memory_space<vmem>>, vector<16xf32>,
      tpu.vector_store_idx %arg7[%get3A_88], %get3A_91 {add = true} : memref<192xf32, #tpu.memory_space<vmem>>[vector<16xi32>], vector<16xf32>,
      %get3A_92 = arith.index_cast %scan3A_56 : i32 to index
      %get3A_93 = arith.constant 96 : index
      %get3A_94 = tpu.vector_load %arg5[%get3A_92, %get3A_93] {strides = array<i32>} : memref<24x384xi32, #tpu.memory_space<vmem>>, vector<16xi32>,
      %get3A_95 = arith.index_cast %scan3A_56 : i32 to index
      %get3A_96 = arith.constant 96 : index
      %get3A_97 = tpu.vector_load %arg6[%get3A_95, %get3A_96] {strides = array<i32>} : memref<24x384xf32, #tpu.memory_space<vmem>>, vector<16xf32>,
      tpu.vector_store_idx %arg7[%get3A_94], %get3A_97 {add = true} : memref<192xf32, #tpu.memory_space<vmem>>[vector<16xi32>], vector<16xf32>,
      %get3A_98 = arith.index_cast %scan3A_56 : i32 to index
      %get3A_99 = arith.constant 112 : index
      %get3A_100 = tpu.vector_load %arg5[%get3A_98, %get3A_99] {strides = array<i32>} : memref<24x384xi32, #tpu.memory_space<vmem>>, vector<16xi32>,
      %get3A_101 = arith.index_cast %scan3A_56 : i32 to index
      %get3A_102 = arith.constant 112 : index
      %get3A_103 = tpu.vector_load %arg6[%get3A_101, %get3A_102] {strides = array<i32>} : memref<24x384xf32, #tpu.memory_space<vmem>>, vector<16xf32>,
      tpu.vector_store_idx %arg7[%get3A_100], %get3A_103 {add = true} : memref<192xf32, #tpu.memory_space<vmem>>[vector<16xi32>], vector<16xf32>,
      %get3A_104 = arith.index_cast %scan3A_56 : i32 to index
      %get3A_105 = arith.constant 128 : index
      %get3A_106 = tpu.vector_load %arg5[%get3A_104, %get3A_105] {strides = array<i32>} : memref<24x384xi32, #tpu.memory_space<vmem>>, vector<16xi32>,
      %get3A_107 = arith.index_cast %scan3A_56 : i32 to index
      %get3A_108 = arith.constant 128 : index
      %get3A_109 = tpu.vector_load %arg6[%get3A_107, %get3A_108] {strides = array<i32>} : memref<24x384xf32, #tpu.memory_space<vmem>>, vector<16xf32>,
      tpu.vector_store_idx %arg7[%get3A_106], %get3A_109 {add = true} : memref<192xf32, #tpu.memory_space<vmem>>[vector<16xi32>], vector<16xf32>,
      %get3A_110 = arith.index_cast %scan3A_56 : i32 to index
      %get3A_111 = arith.constant 144 : index
      %get3A_112 = tpu.vector_load %arg5[%get3A_110, %get3A_111] {strides = array<i32>} : memref<24x384xi32, #tpu.memory_space<vmem>>, vector<16xi32>,
      %get3A_113 = arith.index_cast %scan3A_56 : i32 to index
      %get3A_114 = arith.constant 144 : index
      %get3A_115 = tpu.vector_load %arg6[%get3A_113, %get3A_114] {strides = array<i32>} : memref<24x384xf32, #tpu.memory_space<vmem>>, vector<16xf32>,
      tpu.vector_store_idx %arg7[%get3A_112], %get3A_115 {add = true} : memref<192xf32, #tpu.memory_space<vmem>>[vector<16xi32>], vector<16xf32>,
      %get3A_116 = arith.index_cast %scan3A_56 : i32 to index
      %get3A_117 = arith.constant 160 : index
      %get3A_118 = tpu.vector_load %arg5[%get3A_116, %get3A_117] {strides = array<i32>} : memref<24x384xi32, #tpu.memory_space<vmem>>, vector<16xi32>,
      %get3A_119 = arith.index_cast %scan3A_56 : i32 to index
      %get3A_120 = arith.constant 160 : index
      %get3A_121 = tpu.vector_load %arg6[%get3A_119, %get3A_120] {strides = array<i32>} : memref<24x384xf32, #tpu.memory_space<vmem>>, vector<16xf32>,
      tpu.vector_store_idx %arg7[%get3A_118], %get3A_121 {add = true} : memref<192xf32, #tpu.memory_space<vmem>>[vector<16xi32>], vector<16xf32>,
      %get3A_122 = arith.index_cast %scan3A_56 : i32 to index
      %get3A_123 = arith.constant 176 : index
      %get3A_124 = tpu.vector_load %arg5[%get3A_122, %get3A_123] {strides = array<i32>} : memref<24x384xi32, #tpu.memory_space<vmem>>, vector<16xi32>,
      %get3A_125 = arith.index_cast %scan3A_56 : i32 to index
      %get3A_126 = arith.constant 176 : index
      %get3A_127 = tpu.vector_load %arg6[%get3A_125, %get3A_126] {strides = array<i32>} : memref<24x384xf32, #tpu.memory_space<vmem>>, vector<16xf32>,
      tpu.vector_store_idx %arg7[%get3A_124], %get3A_127 {add = true} : memref<192xf32, #tpu.memory_space<vmem>>[vector<16xi32>], vector<16xf32>,
      %get3A_128 = arith.index_cast %scan3A_56 : i32 to index
      %get3A_129 = arith.constant 192 : index
      %get3A_130 = tpu.vector_load %arg5[%get3A_128, %get3A_129] {strides = array<i32>} : memref<24x384xi32, #tpu.memory_space<vmem>>, vector<16xi32>,
      %get3A_131 = arith.index_cast %scan3A_56 : i32 to index
      %get3A_132 = arith.constant 192 : index
      %get3A_133 = tpu.vector_load %arg6[%get3A_131, %get3A_132] {strides = array<i32>} : memref<24x384xf32, #tpu.memory_space<vmem>>, vector<16xf32>,
      tpu.vector_store_idx %arg7[%get3A_130], %get3A_133 {add = true} : memref<192xf32, #tpu.memory_space<vmem>>[vector<16xi32>], vector<16xf32>,
      %get3A_134 = arith.index_cast %scan3A_56 : i32 to index
      %get3A_135 = arith.constant 208 : index
      %get3A_136 = tpu.vector_load %arg5[%get3A_134, %get3A_135] {strides = array<i32>} : memref<24x384xi32, #tpu.memory_space<vmem>>, vector<16xi32>,
      %get3A_137 = arith.index_cast %scan3A_56 : i32 to index
      %get3A_138 = arith.constant 208 : index
      %get3A_139 = tpu.vector_load %arg6[%get3A_137, %get3A_138] {strides = array<i32>} : memref<24x384xf32, #tpu.memory_space<vmem>>, vector<16xf32>,
      tpu.vector_store_idx %arg7[%get3A_136], %get3A_139 {add = true} : memref<192xf32, #tpu.memory_space<vmem>>[vector<16xi32>], vector<16xf32>,
      %get3A_140 = arith.index_cast %scan3A_56 : i32 to index
      %get3A_141 = arith.constant 224 : index
      %get3A_142 = tpu.vector_load %arg5[%get3A_140, %get3A_141] {strides = array<i32>} : memref<24x384xi32, #tpu.memory_space<vmem>>, vector<16xi32>,
      %get3A_143 = arith.index_cast %scan3A_56 : i32 to index
      %get3A_144 = arith.constant 224 : index
      %get3A_145 = tpu.vector_load %arg6[%get3A_143, %get3A_144] {strides = array<i32>} : memref<24x384xf32, #tpu.memory_space<vmem>>, vector<16xf32>,
      tpu.vector_store_idx %arg7[%get3A_142], %get3A_145 {add = true} : memref<192xf32, #tpu.memory_space<vmem>>[vector<16xi32>], vector<16xf32>,
      %get3A_146 = arith.index_cast %scan3A_56 : i32 to index
      %get3A_147 = arith.constant 240 : index
      %get3A_148 = tpu.vector_load %arg5[%get3A_146, %get3A_147] {strides = array<i32>} : memref<24x384xi32, #tpu.memory_space<vmem>>, vector<16xi32>,
      %get3A_149 = arith.index_cast %scan3A_56 : i32 to index
      %get3A_150 = arith.constant 240 : index
      %get3A_151 = tpu.vector_load %arg6[%get3A_149, %get3A_150] {strides = array<i32>} : memref<24x384xf32, #tpu.memory_space<vmem>>, vector<16xf32>,
      tpu.vector_store_idx %arg7[%get3A_148], %get3A_151 {add = true} : memref<192xf32, #tpu.memory_space<vmem>>[vector<16xi32>], vector<16xf32>,
      %get3A_152 = arith.index_cast %scan3A_56 : i32 to index
      %get3A_153 = arith.constant 256 : index
      %get3A_154 = tpu.vector_load %arg5[%get3A_152, %get3A_153] {strides = array<i32>} : memref<24x384xi32, #tpu.memory_space<vmem>>, vector<16xi32>,
      %get3A_155 = arith.index_cast %scan3A_56 : i32 to index
      %get3A_156 = arith.constant 256 : index
      %get3A_157 = tpu.vector_load %arg6[%get3A_155, %get3A_156] {strides = array<i32>} : memref<24x384xf32, #tpu.memory_space<vmem>>, vector<16xf32>,
      tpu.vector_store_idx %arg7[%get3A_154], %get3A_157 {add = true} : memref<192xf32, #tpu.memory_space<vmem>>[vector<16xi32>], vector<16xf32>,
      %get3A_158 = arith.index_cast %scan3A_56 : i32 to index
      %get3A_159 = arith.constant 272 : index
      %get3A_160 = tpu.vector_load %arg5[%get3A_158, %get3A_159] {strides = array<i32>} : memref<24x384xi32, #tpu.memory_space<vmem>>, vector<16xi32>,
      %get3A_161 = arith.index_cast %scan3A_56 : i32 to index
      %get3A_162 = arith.constant 272 : index
      %get3A_163 = tpu.vector_load %arg6[%get3A_161, %get3A_162] {strides = array<i32>} : memref<24x384xf32, #tpu.memory_space<vmem>>, vector<16xf32>,
      tpu.vector_store_idx %arg7[%get3A_160], %get3A_163 {add = true} : memref<192xf32, #tpu.memory_space<vmem>>[vector<16xi32>], vector<16xf32>,
      %get3A_164 = arith.index_cast %scan3A_56 : i32 to index
      %get3A_165 = arith.constant 288 : index
      %get3A_166 = tpu.vector_load %arg5[%get3A_164, %get3A_165] {strides = array<i32>} : memref<24x384xi32, #tpu.memory_space<vmem>>, vector<16xi32>,
      %get3A_167 = arith.index_cast %scan3A_56 : i32 to index
      %get3A_168 = arith.constant 288 : index
      %get3A_169 = tpu.vector_load %arg6[%get3A_167, %get3A_168] {strides = array<i32>} : memref<24x384xf32, #tpu.memory_space<vmem>>, vector<16xf32>,
      tpu.vector_store_idx %arg7[%get3A_166], %get3A_169 {add = true} : memref<192xf32, #tpu.memory_space<vmem>>[vector<16xi32>], vector<16xf32>,
      %get3A_170 = arith.index_cast %scan3A_56 : i32 to index
      %get3A_171 = arith.constant 304 : index
      %get3A_172 = tpu.vector_load %arg5[%get3A_170, %get3A_171] {strides = array<i32>} : memref<24x384xi32, #tpu.memory_space<vmem>>, vector<16xi32>,
      %get3A_173 = arith.index_cast %scan3A_56 : i32 to index
      %get3A_174 = arith.constant 304 : index
      %get3A_175 = tpu.vector_load %arg6[%get3A_173, %get3A_174] {strides = array<i32>} : memref<24x384xf32, #tpu.memory_space<vmem>>, vector<16xf32>,
      tpu.vector_store_idx %arg7[%get3A_172], %get3A_175 {add = true} : memref<192xf32, #tpu.memory_space<vmem>>[vector<16xi32>], vector<16xf32>,
      %get3A_176 = arith.index_cast %scan3A_56 : i32 to index
      %get3A_177 = arith.constant 320 : index
      %get3A_178 = tpu.vector_load %arg5[%get3A_176, %get3A_177] {strides = array<i32>} : memref<24x384xi32, #tpu.memory_space<vmem>>, vector<16xi32>,
      %get3A_179 = arith.index_cast %scan3A_56 : i32 to index
      %get3A_180 = arith.constant 320 : index
      %get3A_181 = tpu.vector_load %arg6[%get3A_179, %get3A_180] {strides = array<i32>} : memref<24x384xf32, #tpu.memory_space<vmem>>, vector<16xf32>,
      tpu.vector_store_idx %arg7[%get3A_178], %get3A_181 {add = true} : memref<192xf32, #tpu.memory_space<vmem>>[vector<16xi32>], vector<16xf32>,
      %get3A_182 = arith.index_cast %scan3A_56 : i32 to index
      %get3A_183 = arith.constant 336 : index
      %get3A_184 = tpu.vector_load %arg5[%get3A_182, %get3A_183] {strides = array<i32>} : memref<24x384xi32, #tpu.memory_space<vmem>>, vector<16xi32>,
      %get3A_185 = arith.index_cast %scan3A_56 : i32 to index
      %get3A_186 = arith.constant 336 : index
      %get3A_187 = tpu.vector_load %arg6[%get3A_185, %get3A_186] {strides = array<i32>} : memref<24x384xf32, #tpu.memory_space<vmem>>, vector<16xf32>,
      tpu.vector_store_idx %arg7[%get3A_184], %get3A_187 {add = true} : memref<192xf32, #tpu.memory_space<vmem>>[vector<16xi32>], vector<16xf32>,
      %get3A_188 = arith.index_cast %scan3A_56 : i32 to index
      %get3A_189 = arith.constant 352 : index
      %get3A_190 = tpu.vector_load %arg5[%get3A_188, %get3A_189] {strides = array<i32>} : memref<24x384xi32, #tpu.memory_space<vmem>>, vector<16xi32>,
      %get3A_191 = arith.index_cast %scan3A_56 : i32 to index
      %get3A_192 = arith.constant 352 : index
      %get3A_193 = tpu.vector_load %arg6[%get3A_191, %get3A_192] {strides = array<i32>} : memref<24x384xf32, #tpu.memory_space<vmem>>, vector<16xf32>,
      tpu.vector_store_idx %arg7[%get3A_190], %get3A_193 {add = true} : memref<192xf32, #tpu.memory_space<vmem>>[vector<16xi32>], vector<16xf32>,
      %get3A_194 = arith.index_cast %scan3A_56 : i32 to index
      %get3A_195 = arith.constant 368 : index
      %get3A_196 = tpu.vector_load %arg5[%get3A_194, %get3A_195] {strides = array<i32>} : memref<24x384xi32, #tpu.memory_space<vmem>>, vector<16xi32>,
      %get3A_197 = arith.index_cast %scan3A_56 : i32 to index
      %get3A_198 = arith.constant 368 : index
      %get3A_199 = tpu.vector_load %arg6[%get3A_197, %get3A_198] {strides = array<i32>} : memref<24x384xf32, #tpu.memory_space<vmem>>, vector<16xf32>,
      tpu.vector_store_idx %arg7[%get3A_196], %get3A_199 {add = true} : memref<192xf32, #tpu.memory_space<vmem>>[vector<16xi32>], vector<16xf32>,
    }
    %scan3A_55 = arith.constant 24 : i32
    "tpu.region"() ({
      %run_scoped3A = tpu.sem_alloc : memref<!tpu.dma_semaphore, #tpu.memory_space<semaphore_mem>>
      %dma_start3A = arith.constant 0 : i32
      %dma_start3A_56 = tpu.memref_slice %arg4[%add3A, %dma_start3A] : memref<32x192xf32, #tpu.memory_space<hbm>> -> memref<1x192xf32, #tpu.memory_space<hbm>>
      %dma_start3A_57 = tpu.memref_squeeze %dma_start3A_56 : memref<1x192xf32, #tpu.memory_space<hbm>> -> memref<192xf32, #tpu.memory_space<hbm>>
      %dma_start3A_58 = arith.constant 0 : i32
      %dma_start3A_59 = tpu.memref_slice %arg4[%add3A, %dma_start3A_58] : memref<32x192xf32, #tpu.memory_space<hbm>> -> memref<1x192xf32, #tpu.memory_space<hbm>>
      %dma_start3A_60 = tpu.memref_squeeze %dma_start3A_59 : memref<1x192xf32, #tpu.memory_space<hbm>> -> memref<192xf32, #tpu.memory_space<hbm>>
      tpu.enqueue_dma source(%arg7 : memref<192xf32, #tpu.memory_space<vmem>>) target(%dma_start3A_60 : memref<192xf32, #tpu.memory_space<hbm>>) target_semaphore(%run_scoped3A : memref<!tpu.dma_semaphore, #tpu.memory_space<semaphore_mem>>)
      %dma_wait3A = arith.constant 0 : i32
      %dma_wait3A_61 = tpu.memref_slice %arg4[%add3A, %dma_wait3A] : memref<32x192xf32, #tpu.memory_space<hbm>> -> memref<1x192xf32, #tpu.memory_space<hbm>>
      %dma_wait3A_62 = tpu.memref_squeeze %dma_wait3A_61 : memref<1x192xf32, #tpu.memory_space<hbm>> -> memref<192xf32, #tpu.memory_space<hbm>>
      %dma_wait3A_63 = arith.constant 0 : i32
      %dma_wait3A_64 = tpu.memref_slice %arg4[%add3A, %dma_wait3A_63] : memref<32x192xf32, #tpu.memory_space<hbm>> -> memref<1x192xf32, #tpu.memory_space<hbm>>
      %dma_wait3A_65 = tpu.memref_squeeze %dma_wait3A_64 : memref<1x192xf32, #tpu.memory_space<hbm>> -> memref<192xf32, #tpu.memory_space<hbm>>
      tpu.wait_dma2 semaphore(%run_scoped3A : memref<!tpu.dma_semaphore, #tpu.memory_space<semaphore_mem>>) src(%arg7 : memref<192xf32, #tpu.memory_space<vmem>>) dst(%dma_wait3A_65 : memref<192xf32, #tpu.memory_space<hbm>>)
      tpu.yield
    }) : () -> ()
    return
  }
}

module attributes {stable_mosaic.version = 14 : i64} {
  func.func @_proj_in_kernel(%arg0: i32, %arg1: i32, %arg2: memref<16x256xf32, #tpu.memory_space<vmem>>, %arg3: memref<1x256x8x384xf32, #tpu.memory_space<vmem>>, %arg4: memref<1x16x8x384xf32, #tpu.memory_space<vmem>>) attributes {dimension_semantics = [#tpu.dimension_semantics<arbitrary>, #tpu.dimension_semantics<arbitrary>], iteration_bounds = array<i64: 2, 48>, scalar_prefetch = 0 : i64, scratch_operands = 0 : i64, tpu.core_type = #tpu.core_type<tc>, window_params = [{pipeline_mode = #tpu.pipeline_mode<synchronous>, transform_indices = @transform_0, window_bounds = array<i64: 16, 256>}, {transform_indices = @transform_1, window_bounds = array<i64: 1, 256, 8, 384>}, {transform_indices = @transform_2, window_bounds = array<i64: 1, 16, 8, 384>}]} {
    %get3A = arith.constant 0 : index
    %get3A_0 = arith.constant 0 : index
    %get3A_1 = vector.load %arg2[%get3A, %get3A_0] : memref<16x256xf32, #tpu.memory_space<vmem>>, vector<16x256xf32>
    %get3A_2 = arith.constant 0 : index
    %get3A_3 = arith.constant 0 : index
    %get3A_4 = arith.constant 0 : index
    %get3A_5 = arith.constant 0 : index
    %get3A_6 = vector.load %arg3[%get3A_2, %get3A_3, %get3A_4, %get3A_5] : memref<1x256x8x384xf32, #tpu.memory_space<vmem>>, vector<1x256x1x384xf32>
    %get3A_7 = vector.shape_cast %get3A_6 : vector<1x256x1x384xf32> to vector<256x384xf32>
    %dot_general3A = arith.constant dense<0.000000e+00> : vector<16x384xf32>
    %dot_general3A_8 = tpu.matmul %get3A_1, %get3A_7, %dot_general3A {dimension_numbers = #tpu.dot_dimension_numbers<[1], [0], [0], [1], [0, 0, 1, 1], [], []>, transpose_lhs_hint = false} : vector<16x256xf32>, vector<256x384xf32>, vector<16x384xf32> -> vector<16x384xf32>
    %swap3A = arith.constant 0 : index
    %swap3A_9 = arith.constant 0 : index
    %swap3A_10 = arith.constant 0 : index
    %swap3A_11 = arith.constant 0 : index
    %swap3A_12 = vector.load %arg4[%swap3A, %swap3A_9, %swap3A_10, %swap3A_11] : memref<1x16x8x384xf32, #tpu.memory_space<vmem>>, vector<1x16x1x384xf32>
    %swap3A_13 = vector.shape_cast %swap3A_12 : vector<1x16x1x384xf32> to vector<16x384xf32>
    %swap3A_14 = vector.shape_cast %dot_general3A_8 : vector<16x384xf32> to vector<1x16x1x384xf32>
    tpu.vector_store %arg4[%swap3A, %swap3A_9, %swap3A_10, %swap3A_11], %swap3A_14 {strides = array<i32>} : memref<1x16x8x384xf32, #tpu.memory_space<vmem>>, vector<1x16x1x384xf32>,
    %get3A_15 = arith.constant 0 : index
    %get3A_16 = arith.constant 0 : index
    %get3A_17 = arith.constant 1 : index
    %get3A_18 = arith.constant 0 : index
    %get3A_19 = vector.load %arg3[%get3A_15, %get3A_16, %get3A_17, %get3A_18] : memref<1x256x8x384xf32, #tpu.memory_space<vmem>>, vector<1x256x1x384xf32>
    %get3A_20 = vector.shape_cast %get3A_19 : vector<1x256x1x384xf32> to vector<256x384xf32>
    %dot_general3A_21 = arith.constant dense<0.000000e+00> : vector<16x384xf32>
    %dot_general3A_22 = tpu.matmul %get3A_1, %get3A_20, %dot_general3A_21 {dimension_numbers = #tpu.dot_dimension_numbers<[1], [0], [0], [1], [0, 0, 1, 1], [], []>, transpose_lhs_hint = false} : vector<16x256xf32>, vector<256x384xf32>, vector<16x384xf32> -> vector<16x384xf32>
    %swap3A_23 = arith.constant 0 : index
    %swap3A_24 = arith.constant 0 : index
    %swap3A_25 = arith.constant 1 : index
    %swap3A_26 = arith.constant 0 : index
    %swap3A_27 = vector.load %arg4[%swap3A_23, %swap3A_24, %swap3A_25, %swap3A_26] : memref<1x16x8x384xf32, #tpu.memory_space<vmem>>, vector<1x16x1x384xf32>
    %swap3A_28 = vector.shape_cast %swap3A_27 : vector<1x16x1x384xf32> to vector<16x384xf32>
    %swap3A_29 = vector.shape_cast %dot_general3A_22 : vector<16x384xf32> to vector<1x16x1x384xf32>
    tpu.vector_store %arg4[%swap3A_23, %swap3A_24, %swap3A_25, %swap3A_26], %swap3A_29 {strides = array<i32>} : memref<1x16x8x384xf32, #tpu.memory_space<vmem>>, vector<1x16x1x384xf32>,
    %get3A_30 = arith.constant 0 : index
    %get3A_31 = arith.constant 0 : index
    %get3A_32 = arith.constant 2 : index
    %get3A_33 = arith.constant 0 : index
    %get3A_34 = vector.load %arg3[%get3A_30, %get3A_31, %get3A_32, %get3A_33] : memref<1x256x8x384xf32, #tpu.memory_space<vmem>>, vector<1x256x1x384xf32>
    %get3A_35 = vector.shape_cast %get3A_34 : vector<1x256x1x384xf32> to vector<256x384xf32>
    %dot_general3A_36 = arith.constant dense<0.000000e+00> : vector<16x384xf32>
    %dot_general3A_37 = tpu.matmul %get3A_1, %get3A_35, %dot_general3A_36 {dimension_numbers = #tpu.dot_dimension_numbers<[1], [0], [0], [1], [0, 0, 1, 1], [], []>, transpose_lhs_hint = false} : vector<16x256xf32>, vector<256x384xf32>, vector<16x384xf32> -> vector<16x384xf32>
    %swap3A_38 = arith.constant 0 : index
    %swap3A_39 = arith.constant 0 : index
    %swap3A_40 = arith.constant 2 : index
    %swap3A_41 = arith.constant 0 : index
    %swap3A_42 = vector.load %arg4[%swap3A_38, %swap3A_39, %swap3A_40, %swap3A_41] : memref<1x16x8x384xf32, #tpu.memory_space<vmem>>, vector<1x16x1x384xf32>
    %swap3A_43 = vector.shape_cast %swap3A_42 : vector<1x16x1x384xf32> to vector<16x384xf32>
    %swap3A_44 = vector.shape_cast %dot_general3A_37 : vector<16x384xf32> to vector<1x16x1x384xf32>
    tpu.vector_store %arg4[%swap3A_38, %swap3A_39, %swap3A_40, %swap3A_41], %swap3A_44 {strides = array<i32>} : memref<1x16x8x384xf32, #tpu.memory_space<vmem>>, vector<1x16x1x384xf32>,
    %get3A_45 = arith.constant 0 : index
    %get3A_46 = arith.constant 0 : index
    %get3A_47 = arith.constant 3 : index
    %get3A_48 = arith.constant 0 : index
    %get3A_49 = vector.load %arg3[%get3A_45, %get3A_46, %get3A_47, %get3A_48] : memref<1x256x8x384xf32, #tpu.memory_space<vmem>>, vector<1x256x1x384xf32>
    %get3A_50 = vector.shape_cast %get3A_49 : vector<1x256x1x384xf32> to vector<256x384xf32>
    %dot_general3A_51 = arith.constant dense<0.000000e+00> : vector<16x384xf32>
    %dot_general3A_52 = tpu.matmul %get3A_1, %get3A_50, %dot_general3A_51 {dimension_numbers = #tpu.dot_dimension_numbers<[1], [0], [0], [1], [0, 0, 1, 1], [], []>, transpose_lhs_hint = false} : vector<16x256xf32>, vector<256x384xf32>, vector<16x384xf32> -> vector<16x384xf32>
    %swap3A_53 = arith.constant 0 : index
    %swap3A_54 = arith.constant 0 : index
    %swap3A_55 = arith.constant 3 : index
    %swap3A_56 = arith.constant 0 : index
    %swap3A_57 = vector.load %arg4[%swap3A_53, %swap3A_54, %swap3A_55, %swap3A_56] : memref<1x16x8x384xf32, #tpu.memory_space<vmem>>, vector<1x16x1x384xf32>
    %swap3A_58 = vector.shape_cast %swap3A_57 : vector<1x16x1x384xf32> to vector<16x384xf32>
    %swap3A_59 = vector.shape_cast %dot_general3A_52 : vector<16x384xf32> to vector<1x16x1x384xf32>
    tpu.vector_store %arg4[%swap3A_53, %swap3A_54, %swap3A_55, %swap3A_56], %swap3A_59 {strides = array<i32>} : memref<1x16x8x384xf32, #tpu.memory_space<vmem>>, vector<1x16x1x384xf32>,
    %get3A_60 = arith.constant 0 : index
    %get3A_61 = arith.constant 0 : index
    %get3A_62 = arith.constant 4 : index
    %get3A_63 = arith.constant 0 : index
    %get3A_64 = vector.load %arg3[%get3A_60, %get3A_61, %get3A_62, %get3A_63] : memref<1x256x8x384xf32, #tpu.memory_space<vmem>>, vector<1x256x1x384xf32>
    %get3A_65 = vector.shape_cast %get3A_64 : vector<1x256x1x384xf32> to vector<256x384xf32>
    %dot_general3A_66 = arith.constant dense<0.000000e+00> : vector<16x384xf32>
    %dot_general3A_67 = tpu.matmul %get3A_1, %get3A_65, %dot_general3A_66 {dimension_numbers = #tpu.dot_dimension_numbers<[1], [0], [0], [1], [0, 0, 1, 1], [], []>, transpose_lhs_hint = false} : vector<16x256xf32>, vector<256x384xf32>, vector<16x384xf32> -> vector<16x384xf32>
    %swap3A_68 = arith.constant 0 : index
    %swap3A_69 = arith.constant 0 : index
    %swap3A_70 = arith.constant 4 : index
    %swap3A_71 = arith.constant 0 : index
    %swap3A_72 = vector.load %arg4[%swap3A_68, %swap3A_69, %swap3A_70, %swap3A_71] : memref<1x16x8x384xf32, #tpu.memory_space<vmem>>, vector<1x16x1x384xf32>
    %swap3A_73 = vector.shape_cast %swap3A_72 : vector<1x16x1x384xf32> to vector<16x384xf32>
    %swap3A_74 = vector.shape_cast %dot_general3A_67 : vector<16x384xf32> to vector<1x16x1x384xf32>
    tpu.vector_store %arg4[%swap3A_68, %swap3A_69, %swap3A_70, %swap3A_71], %swap3A_74 {strides = array<i32>} : memref<1x16x8x384xf32, #tpu.memory_space<vmem>>, vector<1x16x1x384xf32>,
    %get3A_75 = arith.constant 0 : index
    %get3A_76 = arith.constant 0 : index
    %get3A_77 = arith.constant 5 : index
    %get3A_78 = arith.constant 0 : index
    %get3A_79 = vector.load %arg3[%get3A_75, %get3A_76, %get3A_77, %get3A_78] : memref<1x256x8x384xf32, #tpu.memory_space<vmem>>, vector<1x256x1x384xf32>
    %get3A_80 = vector.shape_cast %get3A_79 : vector<1x256x1x384xf32> to vector<256x384xf32>
    %dot_general3A_81 = arith.constant dense<0.000000e+00> : vector<16x384xf32>
    %dot_general3A_82 = tpu.matmul %get3A_1, %get3A_80, %dot_general3A_81 {dimension_numbers = #tpu.dot_dimension_numbers<[1], [0], [0], [1], [0, 0, 1, 1], [], []>, transpose_lhs_hint = false} : vector<16x256xf32>, vector<256x384xf32>, vector<16x384xf32> -> vector<16x384xf32>
    %swap3A_83 = arith.constant 0 : index
    %swap3A_84 = arith.constant 0 : index
    %swap3A_85 = arith.constant 5 : index
    %swap3A_86 = arith.constant 0 : index
    %swap3A_87 = vector.load %arg4[%swap3A_83, %swap3A_84, %swap3A_85, %swap3A_86] : memref<1x16x8x384xf32, #tpu.memory_space<vmem>>, vector<1x16x1x384xf32>
    %swap3A_88 = vector.shape_cast %swap3A_87 : vector<1x16x1x384xf32> to vector<16x384xf32>
    %swap3A_89 = vector.shape_cast %dot_general3A_82 : vector<16x384xf32> to vector<1x16x1x384xf32>
    tpu.vector_store %arg4[%swap3A_83, %swap3A_84, %swap3A_85, %swap3A_86], %swap3A_89 {strides = array<i32>} : memref<1x16x8x384xf32, #tpu.memory_space<vmem>>, vector<1x16x1x384xf32>,
    %get3A_90 = arith.constant 0 : index
    %get3A_91 = arith.constant 0 : index
    %get3A_92 = arith.constant 6 : index
    %get3A_93 = arith.constant 0 : index
    %get3A_94 = vector.load %arg3[%get3A_90, %get3A_91, %get3A_92, %get3A_93] : memref<1x256x8x384xf32, #tpu.memory_space<vmem>>, vector<1x256x1x384xf32>
    %get3A_95 = vector.shape_cast %get3A_94 : vector<1x256x1x384xf32> to vector<256x384xf32>
    %dot_general3A_96 = arith.constant dense<0.000000e+00> : vector<16x384xf32>
    %dot_general3A_97 = tpu.matmul %get3A_1, %get3A_95, %dot_general3A_96 {dimension_numbers = #tpu.dot_dimension_numbers<[1], [0], [0], [1], [0, 0, 1, 1], [], []>, transpose_lhs_hint = false} : vector<16x256xf32>, vector<256x384xf32>, vector<16x384xf32> -> vector<16x384xf32>
    %swap3A_98 = arith.constant 0 : index
    %swap3A_99 = arith.constant 0 : index
    %swap3A_100 = arith.constant 6 : index
    %swap3A_101 = arith.constant 0 : index
    %swap3A_102 = vector.load %arg4[%swap3A_98, %swap3A_99, %swap3A_100, %swap3A_101] : memref<1x16x8x384xf32, #tpu.memory_space<vmem>>, vector<1x16x1x384xf32>
    %swap3A_103 = vector.shape_cast %swap3A_102 : vector<1x16x1x384xf32> to vector<16x384xf32>
    %swap3A_104 = vector.shape_cast %dot_general3A_97 : vector<16x384xf32> to vector<1x16x1x384xf32>
    tpu.vector_store %arg4[%swap3A_98, %swap3A_99, %swap3A_100, %swap3A_101], %swap3A_104 {strides = array<i32>} : memref<1x16x8x384xf32, #tpu.memory_space<vmem>>, vector<1x16x1x384xf32>,
    %get3A_105 = arith.constant 0 : index
    %get3A_106 = arith.constant 0 : index
    %get3A_107 = arith.constant 7 : index
    %get3A_108 = arith.constant 0 : index
    %get3A_109 = vector.load %arg3[%get3A_105, %get3A_106, %get3A_107, %get3A_108] : memref<1x256x8x384xf32, #tpu.memory_space<vmem>>, vector<1x256x1x384xf32>
    %get3A_110 = vector.shape_cast %get3A_109 : vector<1x256x1x384xf32> to vector<256x384xf32>
    %dot_general3A_111 = arith.constant dense<0.000000e+00> : vector<16x384xf32>
    %dot_general3A_112 = tpu.matmul %get3A_1, %get3A_110, %dot_general3A_111 {dimension_numbers = #tpu.dot_dimension_numbers<[1], [0], [0], [1], [0, 0, 1, 1], [], []>, transpose_lhs_hint = false} : vector<16x256xf32>, vector<256x384xf32>, vector<16x384xf32> -> vector<16x384xf32>
    %swap3A_113 = arith.constant 0 : index
    %swap3A_114 = arith.constant 0 : index
    %swap3A_115 = arith.constant 7 : index
    %swap3A_116 = arith.constant 0 : index
    %swap3A_117 = vector.load %arg4[%swap3A_113, %swap3A_114, %swap3A_115, %swap3A_116] : memref<1x16x8x384xf32, #tpu.memory_space<vmem>>, vector<1x16x1x384xf32>
    %swap3A_118 = vector.shape_cast %swap3A_117 : vector<1x16x1x384xf32> to vector<16x384xf32>
    %swap3A_119 = vector.shape_cast %dot_general3A_112 : vector<16x384xf32> to vector<1x16x1x384xf32>
    tpu.vector_store %arg4[%swap3A_113, %swap3A_114, %swap3A_115, %swap3A_116], %swap3A_119 {strides = array<i32>} : memref<1x16x8x384xf32, #tpu.memory_space<vmem>>, vector<1x16x1x384xf32>,
    return
  }
  func.func @transform_0(%arg0: i32, %arg1: i32) -> (i32, i32) {
    %c0_i32 = arith.constant 0 : i32
    %c0_i32_0 = arith.constant 0 : i32
    %c0_i32_1 = arith.constant 0 : i32
    return %c0_i32, %c0_i32_0 : i32, i32
  }
  func.func @transform_1(%arg0: i32, %arg1: i32) -> (i32, i32, i32, i32) {
    %c0_i32 = arith.constant 0 : i32
    %c0_i32_0 = arith.constant 0 : i32
    %c0_i32_1 = arith.constant 0 : i32
    return %arg0, %c0_i32, %arg1, %c0_i32_0 : i32, i32, i32, i32
  }
  func.func @transform_2(%arg0: i32, %arg1: i32) -> (i32, i32, i32, i32) {
    %c0_i32 = arith.constant 0 : i32
    %c0_i32_0 = arith.constant 0 : i32
    %c0_i32_1 = arith.constant 0 : i32
    return %arg0, %c0_i32, %arg1, %c0_i32_0 : i32, i32, i32, i32
  }
}

module attributes {stable_mosaic.version = 14 : i64} {
  func.func @_fwd_kernel(%arg0: i32, %arg1: memref<1x1x384x384xf32, #tpu.memory_space<vmem>>, %arg2: memref<384x384xf32, #tpu.memory_space<vmem>>, %arg3: memref<384x384xf32, #tpu.memory_space<vmem>>, %arg4: memref<384x384xf32, #tpu.memory_space<vmem>>, %arg5: memref<384x384xf32, #tpu.memory_space<vmem>>, %arg6: memref<384x384xf32, #tpu.memory_space<vmem>>, %arg7: memref<1x1x384x384xf32, #tpu.memory_space<vmem>>, %arg8: memref<1x1x384x384xf32, #tpu.memory_space<vmem>>, %arg9: memref<1x384x384xf32, #tpu.memory_space<vmem>>) attributes {dimension_semantics = [#tpu.dimension_semantics<arbitrary>], iteration_bounds = array<i64: 32>, scalar_prefetch = 0 : i64, scratch_operands = 0 : i64, tpu.core_type = #tpu.core_type<tc>, window_params = [{transform_indices = @transform_0, window_bounds = array<i64: 1, 1, 384, 384>}, {pipeline_mode = #tpu.pipeline_mode<synchronous>, transform_indices = @transform_1, window_bounds = array<i64: 384, 384>}, {pipeline_mode = #tpu.pipeline_mode<synchronous>, transform_indices = @transform_2, window_bounds = array<i64: 384, 384>}, {pipeline_mode = #tpu.pipeline_mode<synchronous>, transform_indices = @transform_3, window_bounds = array<i64: 384, 384>}, {pipeline_mode = #tpu.pipeline_mode<synchronous>, transform_indices = @transform_4, window_bounds = array<i64: 384, 384>}, {pipeline_mode = #tpu.pipeline_mode<synchronous>, transform_indices = @transform_5, window_bounds = array<i64: 384, 384>}, {transform_indices = @transform_6, window_bounds = array<i64: 1, 1, 384, 384>}, {transform_indices = @transform_7, window_bounds = array<i64: 1, 1, 384, 384>}, {transform_indices = @transform_8, window_bounds = array<i64: 1, 384, 384>}]} {
    %rem3A = arith.constant 16 : i32
    %rem3A_0 = arith.remsi %arg0, %rem3A : i32
    %get3A = arith.constant 0 : index
    %get3A_1 = arith.constant 0 : index
    %get3A_2 = arith.constant 0 : index
    %get3A_3 = arith.constant 0 : index
    %get3A_4 = vector.load %arg1[%get3A, %get3A_1, %get3A_2, %get3A_3] : memref<1x1x384x384xf32, #tpu.memory_space<vmem>>, vector<1x1x384x384xf32>
    %get3A_5 = vector.shape_cast %get3A_4 : vector<1x1x384x384xf32> to vector<384x384xf32>
    %get3A_6 = arith.constant 0 : index
    %get3A_7 = arith.constant 0 : index
    %get3A_8 = vector.load %arg2[%get3A_6, %get3A_7] : memref<384x384xf32, #tpu.memory_space<vmem>>, vector<384x384xf32>
    %dot_general3A = arith.constant dense<0.000000e+00> : vector<384x384xf32>
    %dot_general3A_9 = tpu.matmul %get3A_8, %get3A_5, %dot_general3A {dimension_numbers = #tpu.dot_dimension_numbers<[1], [0], [0], [1], [0, 0, 1, 1], [], []>, transpose_lhs_hint = false} : vector<384x384xf32>, vector<384x384xf32>, vector<384x384xf32> -> vector<384x384xf32>
    %get3A_10 = arith.constant 0 : index
    %get3A_11 = arith.constant 0 : index
    %get3A_12 = vector.load %arg3[%get3A_10, %get3A_11] : memref<384x384xf32, #tpu.memory_space<vmem>>, vector<384x384xf32>
    %dot_general3A_13 = arith.constant dense<0.000000e+00> : vector<384x384xf32>
    %dot_general3A_14 = tpu.matmul %get3A_12, %get3A_5, %dot_general3A_13 {dimension_numbers = #tpu.dot_dimension_numbers<[1], [0], [0], [1], [0, 0, 1, 1], [], []>, transpose_lhs_hint = false} : vector<384x384xf32>, vector<384x384xf32>, vector<384x384xf32> -> vector<384x384xf32>
    %get3A_15 = arith.constant 0 : index
    %get3A_16 = arith.constant 0 : index
    %get3A_17 = vector.load %arg4[%get3A_15, %get3A_16] : memref<384x384xf32, #tpu.memory_space<vmem>>, vector<384x384xf32>
    %dot_general3A_18 = arith.constant dense<0.000000e+00> : vector<384x384xf32>
    %dot_general3A_19 = tpu.matmul %dot_general3A_9, %get3A_17, %dot_general3A_18 {dimension_numbers = #tpu.dot_dimension_numbers<[1], [0], [0], [1], [0, 0, 1, 1], [], []>, transpose_lhs_hint = false} : vector<384x384xf32>, vector<384x384xf32>, vector<384x384xf32> -> vector<384x384xf32>
    %get3A_20 = arith.constant 0 : index
    %get3A_21 = arith.constant 0 : index
    %get3A_22 = vector.load %arg5[%get3A_20, %get3A_21] : memref<384x384xf32, #tpu.memory_space<vmem>>, vector<384x384xf32>
    %dot_general3A_23 = arith.constant dense<0.000000e+00> : vector<384x384xf32>
    %dot_general3A_24 = tpu.matmul %dot_general3A_14, %get3A_22, %dot_general3A_23 {dimension_numbers = #tpu.dot_dimension_numbers<[1], [0], [0], [1], [0, 0, 1, 1], [], []>, transpose_lhs_hint = false} : vector<384x384xf32>, vector<384x384xf32>, vector<384x384xf32> -> vector<384x384xf32>
    %sub3A = arith.subf %dot_general3A_19, %dot_general3A_24 : vector<384x384xf32>
    %get3A_25 = arith.constant 0 : index
    %get3A_26 = arith.constant 0 : index
    %get3A_27 = vector.load %arg5[%get3A_25, %get3A_26] : memref<384x384xf32, #tpu.memory_space<vmem>>, vector<384x384xf32>
    %dot_general3A_28 = arith.constant dense<0.000000e+00> : vector<384x384xf32>
    %dot_general3A_29 = tpu.matmul %dot_general3A_9, %get3A_27, %dot_general3A_28 {dimension_numbers = #tpu.dot_dimension_numbers<[1], [0], [0], [1], [0, 0, 1, 1], [], []>, transpose_lhs_hint = false} : vector<384x384xf32>, vector<384x384xf32>, vector<384x384xf32> -> vector<384x384xf32>
    %get3A_30 = arith.constant 0 : index
    %get3A_31 = arith.constant 0 : index
    %get3A_32 = vector.load %arg4[%get3A_30, %get3A_31] : memref<384x384xf32, #tpu.memory_space<vmem>>, vector<384x384xf32>
    %dot_general3A_33 = arith.constant dense<0.000000e+00> : vector<384x384xf32>
    %dot_general3A_34 = tpu.matmul %dot_general3A_14, %get3A_32, %dot_general3A_33 {dimension_numbers = #tpu.dot_dimension_numbers<[1], [0], [0], [1], [0, 0, 1, 1], [], []>, transpose_lhs_hint = false} : vector<384x384xf32>, vector<384x384xf32>, vector<384x384xf32> -> vector<384x384xf32>
    %add3A = arith.addf %dot_general3A_29, %dot_general3A_34 : vector<384x384xf32>
    %swap3A = arith.constant 0 : index
    %swap3A_35 = arith.constant 0 : index
    %swap3A_36 = arith.constant 0 : index
    %swap3A_37 = arith.constant 0 : index
    %swap3A_38 = vector.load %arg7[%swap3A, %swap3A_35, %swap3A_36, %swap3A_37] : memref<1x1x384x384xf32, #tpu.memory_space<vmem>>, vector<1x1x384x384xf32>
    %swap3A_39 = vector.shape_cast %swap3A_38 : vector<1x1x384x384xf32> to vector<384x384xf32>
    %swap3A_40 = vector.shape_cast %sub3A : vector<384x384xf32> to vector<1x1x384x384xf32>
    tpu.vector_store %arg7[%swap3A, %swap3A_35, %swap3A_36, %swap3A_37], %swap3A_40 {strides = array<i32>} : memref<1x1x384x384xf32, #tpu.memory_space<vmem>>, vector<1x1x384x384xf32>,
    %swap3A_41 = arith.constant 0 : index
    %swap3A_42 = arith.constant 0 : index
    %swap3A_43 = arith.constant 0 : index
    %swap3A_44 = arith.constant 0 : index
    %swap3A_45 = vector.load %arg8[%swap3A_41, %swap3A_42, %swap3A_43, %swap3A_44] : memref<1x1x384x384xf32, #tpu.memory_space<vmem>>, vector<1x1x384x384xf32>
    %swap3A_46 = vector.shape_cast %swap3A_45 : vector<1x1x384x384xf32> to vector<384x384xf32>
    %swap3A_47 = vector.shape_cast %add3A : vector<384x384xf32> to vector<1x1x384x384xf32>
    tpu.vector_store %arg8[%swap3A_41, %swap3A_42, %swap3A_43, %swap3A_44], %swap3A_47 {strides = array<i32>} : memref<1x1x384x384xf32, #tpu.memory_space<vmem>>, vector<1x1x384x384xf32>,
    %mul3A = arith.mulf %sub3A, %sub3A : vector<384x384xf32>
    %mul3A_48 = arith.mulf %add3A, %add3A : vector<384x384xf32>
    %add3A_49 = arith.addf %mul3A, %mul3A_48 : vector<384x384xf32>
    %sqrt3A = math.sqrt %add3A_49 : vector<384x384xf32>
    %eq3A = arith.constant 0 : i32
    %eq3A_50 = arith.cmpi eq, %rem3A_0, %eq3A : i32
    %convert_element_type3A = arith.extui %eq3A_50 : i1 to i32
    %cond3A = arith.constant 0 : i32
    %cond3A_51 = arith.cmpi ne, %convert_element_type3A, %cond3A : i32
    scf.if %cond3A_51 {
      %swap3A_61 = arith.constant 0 : index
      %swap3A_62 = arith.constant 0 : index
      %swap3A_63 = arith.constant 0 : index
      %swap3A_64 = vector.load %arg9[%swap3A_61, %swap3A_62, %swap3A_63] : memref<1x384x384xf32, #tpu.memory_space<vmem>>, vector<1x384x384xf32>
      %swap3A_65 = vector.shape_cast %swap3A_64 : vector<1x384x384xf32> to vector<384x384xf32>
      %swap3A_66 = vector.shape_cast %sqrt3A : vector<384x384xf32> to vector<1x384x384xf32>
      tpu.vector_store %arg9[%swap3A_61, %swap3A_62, %swap3A_63], %swap3A_66 {strides = array<i32>} : memref<1x384x384xf32, #tpu.memory_space<vmem>>, vector<1x384x384xf32>,
    } else {
    }
    %gt3A = arith.constant 0 : i32
    %gt3A_52 = arith.cmpi sgt, %rem3A_0, %gt3A : i32
    %convert_element_type3A_53 = arith.extui %gt3A_52 : i1 to i32
    %cond3A_54 = arith.constant 0 : i32
    %cond3A_55 = arith.cmpi ne, %convert_element_type3A_53, %cond3A_54 : i32
    scf.if %cond3A_55 {
      %get3A_61 = arith.constant 0 : index
      %get3A_62 = arith.constant 0 : index
      %get3A_63 = arith.constant 0 : index
      %get3A_64 = vector.load %arg9[%get3A_61, %get3A_62, %get3A_63] : memref<1x384x384xf32, #tpu.memory_space<vmem>>, vector<1x384x384xf32>
      %get3A_65 = vector.shape_cast %get3A_64 : vector<1x384x384xf32> to vector<384x384xf32>
      %add3A_66 = arith.addf %get3A_65, %sqrt3A : vector<384x384xf32>
      %swap3A_67 = arith.constant 0 : index
      %swap3A_68 = arith.constant 0 : index
      %swap3A_69 = arith.constant 0 : index
      %swap3A_70 = vector.load %arg9[%swap3A_67, %swap3A_68, %swap3A_69] : memref<1x384x384xf32, #tpu.memory_space<vmem>>, vector<1x384x384xf32>
      %swap3A_71 = vector.shape_cast %swap3A_70 : vector<1x384x384xf32> to vector<384x384xf32>
      %swap3A_72 = vector.shape_cast %add3A_66 : vector<384x384xf32> to vector<1x384x384xf32>
      tpu.vector_store %arg9[%swap3A_67, %swap3A_68, %swap3A_69], %swap3A_72 {strides = array<i32>} : memref<1x384x384xf32, #tpu.memory_space<vmem>>, vector<1x384x384xf32>,
    } else {
    }
    %eq3A_56 = arith.constant 15 : i32
    %eq3A_57 = arith.cmpi eq, %rem3A_0, %eq3A_56 : i32
    %convert_element_type3A_58 = arith.extui %eq3A_57 : i1 to i32
    %cond3A_59 = arith.constant 0 : i32
    %cond3A_60 = arith.cmpi ne, %convert_element_type3A_58, %cond3A_59 : i32
    scf.if %cond3A_60 {
      %get3A_61 = arith.constant 0 : index
      %get3A_62 = arith.constant 0 : index
      %get3A_63 = arith.constant 0 : index
      %get3A_64 = vector.load %arg9[%get3A_61, %get3A_62, %get3A_63] : memref<1x384x384xf32, #tpu.memory_space<vmem>>, vector<1x384x384xf32>
      %get3A_65 = vector.shape_cast %get3A_64 : vector<1x384x384xf32> to vector<384x384xf32>
      %get3A_66 = arith.constant 0 : index
      %get3A_67 = arith.constant 0 : index
      %get3A_68 = vector.load %arg6[%get3A_66, %get3A_67] : memref<384x384xf32, #tpu.memory_space<vmem>>, vector<384x384xf32>
      %mul3A_69 = arith.mulf %get3A_65, %get3A_68 : vector<384x384xf32>
      %swap3A_70 = arith.constant 0 : index
      %swap3A_71 = arith.constant 0 : index
      %swap3A_72 = arith.constant 0 : index
      %swap3A_73 = vector.load %arg9[%swap3A_70, %swap3A_71, %swap3A_72] : memref<1x384x384xf32, #tpu.memory_space<vmem>>, vector<1x384x384xf32>
      %swap3A_74 = vector.shape_cast %swap3A_73 : vector<1x384x384xf32> to vector<384x384xf32>
      %swap3A_75 = vector.shape_cast %mul3A_69 : vector<384x384xf32> to vector<1x384x384xf32>
      tpu.vector_store %arg9[%swap3A_70, %swap3A_71, %swap3A_72], %swap3A_75 {strides = array<i32>} : memref<1x384x384xf32, #tpu.memory_space<vmem>>, vector<1x384x384xf32>,
    } else {
    }
    return
  }
  func.func @transform_0(%arg0: i32) -> (i32, i32, i32, i32) {
    %jit3A = arith.constant 16 : i32
    %div3A = arith.divsi %arg0, %jit3A : i32
    %sign3A = arith.constant 0 : i32
    %sign3A_0 = arith.cmpi sgt, %arg0, %sign3A : i32
    %sign3A_1 = arith.extui %sign3A_0 : i1 to i32
    %sign3A_2 = arith.constant 0 : i32
    %sign3A_3 = arith.cmpi slt, %arg0, %sign3A_2 : i32
    %sign3A_4 = arith.extui %sign3A_3 : i1 to i32
    %sign3A_5 = arith.subi %sign3A_1, %sign3A_4 : i32
    %sign3A_6 = arith.constant 0 : i32
    %sign3A_7 = arith.cmpi sgt, %jit3A, %sign3A_6 : i32
    %sign3A_8 = arith.extui %sign3A_7 : i1 to i32
    %sign3A_9 = arith.constant 0 : i32
    %sign3A_10 = arith.cmpi slt, %jit3A, %sign3A_9 : i32
    %sign3A_11 = arith.extui %sign3A_10 : i1 to i32
    %sign3A_12 = arith.subi %sign3A_8, %sign3A_11 : i32
    %ne3A = arith.cmpi ne, %sign3A_5, %sign3A_12 : i32
    %rem3A = arith.remsi %arg0, %jit3A : i32
    %ne3A_13 = arith.constant 0 : i32
    %ne3A_14 = arith.cmpi ne, %rem3A, %ne3A_13 : i32
    %and3A = arith.andi %ne3A, %ne3A_14 : i1
    %sub3A = arith.constant 1 : i32
    %sub3A_15 = arith.subi %div3A, %sub3A : i32
    %select_n3A = arith.select %and3A, %sub3A_15, %div3A : i32
    %jit3A_16 = arith.constant 16 : i32
    %eq3A = arith.constant 0 : i32
    %eq3A_17 = arith.cmpi eq, %jit3A_16, %eq3A : i32
    %jit3A_18 = arith.constant 1 : i32
    %select_n3A_19 = arith.select %eq3A_17, %jit3A_18, %jit3A_16 : i32
    %rem3A_20 = arith.remsi %arg0, %select_n3A_19 : i32
    %ne3A_21 = arith.constant 0 : i32
    %ne3A_22 = arith.cmpi ne, %rem3A_20, %ne3A_21 : i32
    %lt3A = arith.constant 0 : i32
    %lt3A_23 = arith.cmpi slt, %rem3A_20, %lt3A : i32
    %lt3A_24 = arith.constant 0 : i32
    %lt3A_25 = arith.cmpi slt, %select_n3A_19, %lt3A_24 : i32
    %ne3A_26 = arith.xori %lt3A_23, %lt3A_25 : i1
    %and3A_27 = arith.andi %ne3A_26, %ne3A_22 : i1
    %add3A = arith.addi %rem3A_20, %select_n3A_19 : i32
    %select_n3A_28 = arith.select %and3A_27, %add3A, %rem3A_20 : i32
    %c0_i32 = arith.constant 0 : i32
    %c0_i32_29 = arith.constant 0 : i32
    %c0_i32_30 = arith.constant 0 : i32
    return %select_n3A, %select_n3A_28, %c0_i32, %c0_i32_29 : i32, i32, i32, i32
  }
  func.func @transform_1(%arg0: i32) -> (i32, i32) {
    %c0_i32 = arith.constant 0 : i32
    %c0_i32_0 = arith.constant 0 : i32
    %c0_i32_1 = arith.constant 0 : i32
    return %c0_i32, %c0_i32_0 : i32, i32
  }
  func.func @transform_2(%arg0: i32) -> (i32, i32) {
    %c0_i32 = arith.constant 0 : i32
    %c0_i32_0 = arith.constant 0 : i32
    %c0_i32_1 = arith.constant 0 : i32
    return %c0_i32, %c0_i32_0 : i32, i32
  }
  func.func @transform_3(%arg0: i32) -> (i32, i32) {
    %c0_i32 = arith.constant 0 : i32
    %c0_i32_0 = arith.constant 0 : i32
    %c0_i32_1 = arith.constant 0 : i32
    return %c0_i32, %c0_i32_0 : i32, i32
  }
  func.func @transform_4(%arg0: i32) -> (i32, i32) {
    %c0_i32 = arith.constant 0 : i32
    %c0_i32_0 = arith.constant 0 : i32
    %c0_i32_1 = arith.constant 0 : i32
    return %c0_i32, %c0_i32_0 : i32, i32
  }
  func.func @transform_5(%arg0: i32) -> (i32, i32) {
    %c0_i32 = arith.constant 0 : i32
    %c0_i32_0 = arith.constant 0 : i32
    %c0_i32_1 = arith.constant 0 : i32
    return %c0_i32, %c0_i32_0 : i32, i32
  }
  func.func @transform_6(%arg0: i32) -> (i32, i32, i32, i32) {
    %jit3A = arith.constant 16 : i32
    %div3A = arith.divsi %arg0, %jit3A : i32
    %sign3A = arith.constant 0 : i32
    %sign3A_0 = arith.cmpi sgt, %arg0, %sign3A : i32
    %sign3A_1 = arith.extui %sign3A_0 : i1 to i32
    %sign3A_2 = arith.constant 0 : i32
    %sign3A_3 = arith.cmpi slt, %arg0, %sign3A_2 : i32
    %sign3A_4 = arith.extui %sign3A_3 : i1 to i32
    %sign3A_5 = arith.subi %sign3A_1, %sign3A_4 : i32
    %sign3A_6 = arith.constant 0 : i32
    %sign3A_7 = arith.cmpi sgt, %jit3A, %sign3A_6 : i32
    %sign3A_8 = arith.extui %sign3A_7 : i1 to i32
    %sign3A_9 = arith.constant 0 : i32
    %sign3A_10 = arith.cmpi slt, %jit3A, %sign3A_9 : i32
    %sign3A_11 = arith.extui %sign3A_10 : i1 to i32
    %sign3A_12 = arith.subi %sign3A_8, %sign3A_11 : i32
    %ne3A = arith.cmpi ne, %sign3A_5, %sign3A_12 : i32
    %rem3A = arith.remsi %arg0, %jit3A : i32
    %ne3A_13 = arith.constant 0 : i32
    %ne3A_14 = arith.cmpi ne, %rem3A, %ne3A_13 : i32
    %and3A = arith.andi %ne3A, %ne3A_14 : i1
    %sub3A = arith.constant 1 : i32
    %sub3A_15 = arith.subi %div3A, %sub3A : i32
    %select_n3A = arith.select %and3A, %sub3A_15, %div3A : i32
    %jit3A_16 = arith.constant 16 : i32
    %eq3A = arith.constant 0 : i32
    %eq3A_17 = arith.cmpi eq, %jit3A_16, %eq3A : i32
    %jit3A_18 = arith.constant 1 : i32
    %select_n3A_19 = arith.select %eq3A_17, %jit3A_18, %jit3A_16 : i32
    %rem3A_20 = arith.remsi %arg0, %select_n3A_19 : i32
    %ne3A_21 = arith.constant 0 : i32
    %ne3A_22 = arith.cmpi ne, %rem3A_20, %ne3A_21 : i32
    %lt3A = arith.constant 0 : i32
    %lt3A_23 = arith.cmpi slt, %rem3A_20, %lt3A : i32
    %lt3A_24 = arith.constant 0 : i32
    %lt3A_25 = arith.cmpi slt, %select_n3A_19, %lt3A_24 : i32
    %ne3A_26 = arith.xori %lt3A_23, %lt3A_25 : i1
    %and3A_27 = arith.andi %ne3A_26, %ne3A_22 : i1
    %add3A = arith.addi %rem3A_20, %select_n3A_19 : i32
    %select_n3A_28 = arith.select %and3A_27, %add3A, %rem3A_20 : i32
    %c0_i32 = arith.constant 0 : i32
    %c0_i32_29 = arith.constant 0 : i32
    %c0_i32_30 = arith.constant 0 : i32
    return %select_n3A, %select_n3A_28, %c0_i32, %c0_i32_29 : i32, i32, i32, i32
  }
  func.func @transform_7(%arg0: i32) -> (i32, i32, i32, i32) {
    %jit3A = arith.constant 16 : i32
    %div3A = arith.divsi %arg0, %jit3A : i32
    %sign3A = arith.constant 0 : i32
    %sign3A_0 = arith.cmpi sgt, %arg0, %sign3A : i32
    %sign3A_1 = arith.extui %sign3A_0 : i1 to i32
    %sign3A_2 = arith.constant 0 : i32
    %sign3A_3 = arith.cmpi slt, %arg0, %sign3A_2 : i32
    %sign3A_4 = arith.extui %sign3A_3 : i1 to i32
    %sign3A_5 = arith.subi %sign3A_1, %sign3A_4 : i32
    %sign3A_6 = arith.constant 0 : i32
    %sign3A_7 = arith.cmpi sgt, %jit3A, %sign3A_6 : i32
    %sign3A_8 = arith.extui %sign3A_7 : i1 to i32
    %sign3A_9 = arith.constant 0 : i32
    %sign3A_10 = arith.cmpi slt, %jit3A, %sign3A_9 : i32
    %sign3A_11 = arith.extui %sign3A_10 : i1 to i32
    %sign3A_12 = arith.subi %sign3A_8, %sign3A_11 : i32
    %ne3A = arith.cmpi ne, %sign3A_5, %sign3A_12 : i32
    %rem3A = arith.remsi %arg0, %jit3A : i32
    %ne3A_13 = arith.constant 0 : i32
    %ne3A_14 = arith.cmpi ne, %rem3A, %ne3A_13 : i32
    %and3A = arith.andi %ne3A, %ne3A_14 : i1
    %sub3A = arith.constant 1 : i32
    %sub3A_15 = arith.subi %div3A, %sub3A : i32
    %select_n3A = arith.select %and3A, %sub3A_15, %div3A : i32
    %jit3A_16 = arith.constant 16 : i32
    %eq3A = arith.constant 0 : i32
    %eq3A_17 = arith.cmpi eq, %jit3A_16, %eq3A : i32
    %jit3A_18 = arith.constant 1 : i32
    %select_n3A_19 = arith.select %eq3A_17, %jit3A_18, %jit3A_16 : i32
    %rem3A_20 = arith.remsi %arg0, %select_n3A_19 : i32
    %ne3A_21 = arith.constant 0 : i32
    %ne3A_22 = arith.cmpi ne, %rem3A_20, %ne3A_21 : i32
    %lt3A = arith.constant 0 : i32
    %lt3A_23 = arith.cmpi slt, %rem3A_20, %lt3A : i32
    %lt3A_24 = arith.constant 0 : i32
    %lt3A_25 = arith.cmpi slt, %select_n3A_19, %lt3A_24 : i32
    %ne3A_26 = arith.xori %lt3A_23, %lt3A_25 : i1
    %and3A_27 = arith.andi %ne3A_26, %ne3A_22 : i1
    %add3A = arith.addi %rem3A_20, %select_n3A_19 : i32
    %select_n3A_28 = arith.select %and3A_27, %add3A, %rem3A_20 : i32
    %c0_i32 = arith.constant 0 : i32
    %c0_i32_29 = arith.constant 0 : i32
    %c0_i32_30 = arith.constant 0 : i32
    return %select_n3A, %select_n3A_28, %c0_i32, %c0_i32_29 : i32, i32, i32, i32
  }
  func.func @transform_8(%arg0: i32) -> (i32, i32, i32) {
    %jit3A = arith.constant 16 : i32
    %div3A = arith.divsi %arg0, %jit3A : i32
    %sign3A = arith.constant 0 : i32
    %sign3A_0 = arith.cmpi sgt, %arg0, %sign3A : i32
    %sign3A_1 = arith.extui %sign3A_0 : i1 to i32
    %sign3A_2 = arith.constant 0 : i32
    %sign3A_3 = arith.cmpi slt, %arg0, %sign3A_2 : i32
    %sign3A_4 = arith.extui %sign3A_3 : i1 to i32
    %sign3A_5 = arith.subi %sign3A_1, %sign3A_4 : i32
    %sign3A_6 = arith.constant 0 : i32
    %sign3A_7 = arith.cmpi sgt, %jit3A, %sign3A_6 : i32
    %sign3A_8 = arith.extui %sign3A_7 : i1 to i32
    %sign3A_9 = arith.constant 0 : i32
    %sign3A_10 = arith.cmpi slt, %jit3A, %sign3A_9 : i32
    %sign3A_11 = arith.extui %sign3A_10 : i1 to i32
    %sign3A_12 = arith.subi %sign3A_8, %sign3A_11 : i32
    %ne3A = arith.cmpi ne, %sign3A_5, %sign3A_12 : i32
    %rem3A = arith.remsi %arg0, %jit3A : i32
    %ne3A_13 = arith.constant 0 : i32
    %ne3A_14 = arith.cmpi ne, %rem3A, %ne3A_13 : i32
    %and3A = arith.andi %ne3A, %ne3A_14 : i1
    %sub3A = arith.constant 1 : i32
    %sub3A_15 = arith.subi %div3A, %sub3A : i32
    %select_n3A = arith.select %and3A, %sub3A_15, %div3A : i32
    %c0_i32 = arith.constant 0 : i32
    %c0_i32_16 = arith.constant 0 : i32
    %c0_i32_17 = arith.constant 0 : i32
    return %select_n3A, %c0_i32, %c0_i32_16 : i32, i32, i32
  }
}

module attributes {stable_mosaic.version = 14 : i64} {
  func.func @_peaks_kernel(%arg0: memref<2x16x192xf32, #tpu.memory_space<vmem>>, %arg1: memref<1x180xf32, #tpu.memory_space<vmem>>, %arg2: memref<2x2xf32, #tpu.memory_space<vmem>>) attributes {dimension_semantics = [], scalar_prefetch = 0 : i64, scratch_operands = 0 : i64, tpu.core_type = #tpu.core_type<tc>} {
    %get3A = arith.constant 0 : index
    %get3A_0 = arith.constant 0 : index
    %get3A_1 = arith.constant 0 : index
    %get3A_2 = vector.load %arg0[%get3A, %get3A_0, %get3A_1] : memref<2x16x192xf32, #tpu.memory_space<vmem>>, vector<2x1x192xf32>
    %get3A_3 = vector.shape_cast %get3A_2 : vector<2x1x192xf32> to vector<2x192xf32>
    %get3A_4 = arith.constant 0 : index
    %get3A_5 = arith.constant 1 : index
    %get3A_6 = arith.constant 0 : index
    %get3A_7 = vector.load %arg0[%get3A_4, %get3A_5, %get3A_6] : memref<2x16x192xf32, #tpu.memory_space<vmem>>, vector<2x1x192xf32>
    %get3A_8 = vector.shape_cast %get3A_7 : vector<2x1x192xf32> to vector<2x192xf32>
    %add3A = arith.addf %get3A_3, %get3A_8 : vector<2x192xf32>
    %get3A_9 = arith.constant 0 : index
    %get3A_10 = arith.constant 2 : index
    %get3A_11 = arith.constant 0 : index
    %get3A_12 = vector.load %arg0[%get3A_9, %get3A_10, %get3A_11] : memref<2x16x192xf32, #tpu.memory_space<vmem>>, vector<2x1x192xf32>
    %get3A_13 = vector.shape_cast %get3A_12 : vector<2x1x192xf32> to vector<2x192xf32>
    %add3A_14 = arith.addf %add3A, %get3A_13 : vector<2x192xf32>
    %get3A_15 = arith.constant 0 : index
    %get3A_16 = arith.constant 3 : index
    %get3A_17 = arith.constant 0 : index
    %get3A_18 = vector.load %arg0[%get3A_15, %get3A_16, %get3A_17] : memref<2x16x192xf32, #tpu.memory_space<vmem>>, vector<2x1x192xf32>
    %get3A_19 = vector.shape_cast %get3A_18 : vector<2x1x192xf32> to vector<2x192xf32>
    %add3A_20 = arith.addf %add3A_14, %get3A_19 : vector<2x192xf32>
    %get3A_21 = arith.constant 0 : index
    %get3A_22 = arith.constant 4 : index
    %get3A_23 = arith.constant 0 : index
    %get3A_24 = vector.load %arg0[%get3A_21, %get3A_22, %get3A_23] : memref<2x16x192xf32, #tpu.memory_space<vmem>>, vector<2x1x192xf32>
    %get3A_25 = vector.shape_cast %get3A_24 : vector<2x1x192xf32> to vector<2x192xf32>
    %add3A_26 = arith.addf %add3A_20, %get3A_25 : vector<2x192xf32>
    %get3A_27 = arith.constant 0 : index
    %get3A_28 = arith.constant 5 : index
    %get3A_29 = arith.constant 0 : index
    %get3A_30 = vector.load %arg0[%get3A_27, %get3A_28, %get3A_29] : memref<2x16x192xf32, #tpu.memory_space<vmem>>, vector<2x1x192xf32>
    %get3A_31 = vector.shape_cast %get3A_30 : vector<2x1x192xf32> to vector<2x192xf32>
    %add3A_32 = arith.addf %add3A_26, %get3A_31 : vector<2x192xf32>
    %get3A_33 = arith.constant 0 : index
    %get3A_34 = arith.constant 6 : index
    %get3A_35 = arith.constant 0 : index
    %get3A_36 = vector.load %arg0[%get3A_33, %get3A_34, %get3A_35] : memref<2x16x192xf32, #tpu.memory_space<vmem>>, vector<2x1x192xf32>
    %get3A_37 = vector.shape_cast %get3A_36 : vector<2x1x192xf32> to vector<2x192xf32>
    %add3A_38 = arith.addf %add3A_32, %get3A_37 : vector<2x192xf32>
    %get3A_39 = arith.constant 0 : index
    %get3A_40 = arith.constant 7 : index
    %get3A_41 = arith.constant 0 : index
    %get3A_42 = vector.load %arg0[%get3A_39, %get3A_40, %get3A_41] : memref<2x16x192xf32, #tpu.memory_space<vmem>>, vector<2x1x192xf32>
    %get3A_43 = vector.shape_cast %get3A_42 : vector<2x1x192xf32> to vector<2x192xf32>
    %add3A_44 = arith.addf %add3A_38, %get3A_43 : vector<2x192xf32>
    %get3A_45 = arith.constant 0 : index
    %get3A_46 = arith.constant 8 : index
    %get3A_47 = arith.constant 0 : index
    %get3A_48 = vector.load %arg0[%get3A_45, %get3A_46, %get3A_47] : memref<2x16x192xf32, #tpu.memory_space<vmem>>, vector<2x1x192xf32>
    %get3A_49 = vector.shape_cast %get3A_48 : vector<2x1x192xf32> to vector<2x192xf32>
    %add3A_50 = arith.addf %add3A_44, %get3A_49 : vector<2x192xf32>
    %get3A_51 = arith.constant 0 : index
    %get3A_52 = arith.constant 9 : index
    %get3A_53 = arith.constant 0 : index
    %get3A_54 = vector.load %arg0[%get3A_51, %get3A_52, %get3A_53] : memref<2x16x192xf32, #tpu.memory_space<vmem>>, vector<2x1x192xf32>
    %get3A_55 = vector.shape_cast %get3A_54 : vector<2x1x192xf32> to vector<2x192xf32>
    %add3A_56 = arith.addf %add3A_50, %get3A_55 : vector<2x192xf32>
    %get3A_57 = arith.constant 0 : index
    %get3A_58 = arith.constant 10 : index
    %get3A_59 = arith.constant 0 : index
    %get3A_60 = vector.load %arg0[%get3A_57, %get3A_58, %get3A_59] : memref<2x16x192xf32, #tpu.memory_space<vmem>>, vector<2x1x192xf32>
    %get3A_61 = vector.shape_cast %get3A_60 : vector<2x1x192xf32> to vector<2x192xf32>
    %add3A_62 = arith.addf %add3A_56, %get3A_61 : vector<2x192xf32>
    %get3A_63 = arith.constant 0 : index
    %get3A_64 = arith.constant 11 : index
    %get3A_65 = arith.constant 0 : index
    %get3A_66 = vector.load %arg0[%get3A_63, %get3A_64, %get3A_65] : memref<2x16x192xf32, #tpu.memory_space<vmem>>, vector<2x1x192xf32>
    %get3A_67 = vector.shape_cast %get3A_66 : vector<2x1x192xf32> to vector<2x192xf32>
    %add3A_68 = arith.addf %add3A_62, %get3A_67 : vector<2x192xf32>
    %get3A_69 = arith.constant 0 : index
    %get3A_70 = arith.constant 12 : index
    %get3A_71 = arith.constant 0 : index
    %get3A_72 = vector.load %arg0[%get3A_69, %get3A_70, %get3A_71] : memref<2x16x192xf32, #tpu.memory_space<vmem>>, vector<2x1x192xf32>
    %get3A_73 = vector.shape_cast %get3A_72 : vector<2x1x192xf32> to vector<2x192xf32>
    %add3A_74 = arith.addf %add3A_68, %get3A_73 : vector<2x192xf32>
    %get3A_75 = arith.constant 0 : index
    %get3A_76 = arith.constant 13 : index
    %get3A_77 = arith.constant 0 : index
    %get3A_78 = vector.load %arg0[%get3A_75, %get3A_76, %get3A_77] : memref<2x16x192xf32, #tpu.memory_space<vmem>>, vector<2x1x192xf32>
    %get3A_79 = vector.shape_cast %get3A_78 : vector<2x1x192xf32> to vector<2x192xf32>
    %add3A_80 = arith.addf %add3A_74, %get3A_79 : vector<2x192xf32>
    %get3A_81 = arith.constant 0 : index
    %get3A_82 = arith.constant 14 : index
    %get3A_83 = arith.constant 0 : index
    %get3A_84 = vector.load %arg0[%get3A_81, %get3A_82, %get3A_83] : memref<2x16x192xf32, #tpu.memory_space<vmem>>, vector<2x1x192xf32>
    %get3A_85 = vector.shape_cast %get3A_84 : vector<2x1x192xf32> to vector<2x192xf32>
    %add3A_86 = arith.addf %add3A_80, %get3A_85 : vector<2x192xf32>
    %get3A_87 = arith.constant 0 : index
    %get3A_88 = arith.constant 15 : index
    %get3A_89 = arith.constant 0 : index
    %get3A_90 = vector.load %arg0[%get3A_87, %get3A_88, %get3A_89] : memref<2x16x192xf32, #tpu.memory_space<vmem>>, vector<2x1x192xf32>
    %get3A_91 = vector.shape_cast %get3A_90 : vector<2x1x192xf32> to vector<2x192xf32>
    %add3A_92 = arith.addf %add3A_86, %get3A_91 : vector<2x192xf32>
    %slice3A = vector.extract_strided_slice %add3A_92 {offsets = [0, 0], sizes = [2, 180], strides = [1, 1]} : vector<2x192xf32> to vector<2x180xf32>
    %broadcast_in_dim3A = arith.constant 0.000000e+00 : f32
    %broadcast_in_dim3A_93 = vector.broadcast %broadcast_in_dim3A : f32 to vector<2x1xf32>
    %slice3A_94 = vector.extract_strided_slice %slice3A {offsets = [0, 0], sizes = [2, 179], strides = [1, 1]} : vector<2x180xf32> to vector<2x179xf32>
    %concatenate3A = tpu.concatenate %broadcast_in_dim3A_93, %slice3A_94 in 1 : vector<2x1xf32>, vector<2x179xf32> -> vector<2x180xf32>
    %slice3A_95 = vector.extract_strided_slice %slice3A {offsets = [0, 1], sizes = [2, 179], strides = [1, 1]} : vector<2x180xf32> to vector<2x179xf32>
    %concatenate3A_96 = tpu.concatenate %slice3A_95, %broadcast_in_dim3A_93 in 1 : vector<2x179xf32>, vector<2x1xf32> -> vector<2x180xf32>
    %mul3A = arith.constant 2.500000e-01 : f32
    %mul3A_97 = vector.broadcast %mul3A : f32 to vector<2x180xf32>
    %mul3A_98 = arith.mulf %mul3A_97, %concatenate3A : vector<2x180xf32>
    %mul3A_99 = arith.constant 5.000000e-01 : f32
    %mul3A_100 = vector.broadcast %mul3A_99 : f32 to vector<2x180xf32>
    %mul3A_101 = arith.mulf %mul3A_100, %slice3A : vector<2x180xf32>
    %add3A_102 = arith.addf %mul3A_98, %mul3A_101 : vector<2x180xf32>
    %mul3A_103 = arith.constant 2.500000e-01 : f32
    %mul3A_104 = vector.broadcast %mul3A_103 : f32 to vector<2x180xf32>
    %mul3A_105 = arith.mulf %mul3A_104, %concatenate3A_96 : vector<2x180xf32>
    %add3A_106 = arith.addf %add3A_102, %mul3A_105 : vector<2x180xf32>
    %reduce_sum3A = arith.constant dense<0.000000e+00> : vector<2xf32>
    %reduce_sum3A_107 = vector.multi_reduction <add>, %add3A_106, %reduce_sum3A [1] : vector<2x180xf32> to vector<2xf32>
    %broadcast_in_dim3A_108 = vector.shape_cast %reduce_sum3A_107 : vector<2xf32> to vector<2x1xf32>
    %div3A = arith.constant 1.800000e+02 : f32
    %div3A_109 = vector.broadcast %div3A : f32 to vector<2x1xf32>
    %div3A_110 = arith.divf %broadcast_in_dim3A_108, %div3A_109 : vector<2x1xf32>
    %slice3A_111 = vector.extract_strided_slice %add3A_106 {offsets = [0, 179], sizes = [2, 1], strides = [1, 1]} : vector<2x180xf32> to vector<2x1xf32>
    %slice3A_112 = vector.extract_strided_slice %add3A_106 {offsets = [0, 0], sizes = [2, 179], strides = [1, 1]} : vector<2x180xf32> to vector<2x179xf32>
    %concatenate3A_113 = tpu.concatenate %slice3A_111, %slice3A_112 in 1 : vector<2x1xf32>, vector<2x179xf32> -> vector<2x180xf32>
    %slice3A_114 = vector.extract_strided_slice %add3A_106 {offsets = [0, 1], sizes = [2, 179], strides = [1, 1]} : vector<2x180xf32> to vector<2x179xf32>
    %slice3A_115 = vector.extract_strided_slice %add3A_106 {offsets = [0, 0], sizes = [2, 1], strides = [1, 1]} : vector<2x180xf32> to vector<2x1xf32>
    %concatenate3A_116 = tpu.concatenate %slice3A_114, %slice3A_115 in 1 : vector<2x179xf32>, vector<2x1xf32> -> vector<2x180xf32>
    %gt3A = vector.broadcast %div3A_110 : vector<2x1xf32> to vector<2x180xf32>
    %gt3A_117 = arith.cmpf ogt, %add3A_106, %gt3A : vector<2x180xf32>
    %gt3A_118 = arith.cmpf ogt, %add3A_106, %concatenate3A_113 : vector<2x180xf32>
    %and3A = arith.andi %gt3A_117, %gt3A_118 : vector<2x180xi1>
    %gt3A_119 = arith.cmpf ogt, %add3A_106, %concatenate3A_116 : vector<2x180xf32>
    %and3A_120 = arith.andi %and3A, %gt3A_119 : vector<2x180xi1>
    %convert_element_type3A = arith.extui %and3A_120 : vector<2x180xi1> to vector<2x180xi32>
    %reduce_sum3A_121 = arith.constant dense<0> : vector<2xi32>
    %reduce_sum3A_122 = vector.multi_reduction <add>, %convert_element_type3A, %reduce_sum3A_121 [1] : vector<2x180xi32> to vector<2xi32>
    %broadcast_in_dim3A_123 = vector.shape_cast %reduce_sum3A_122 : vector<2xi32> to vector<2x1xi32>
    %jit3A = arith.constant 0xFF800000 : f32
    %broadcast_in_dim3A_124 = vector.broadcast %jit3A : f32 to vector<2x180xf32>
    %select_n3A = arith.select %and3A_120, %add3A_106, %broadcast_in_dim3A_124 : vector<2x180xi1>, vector<2x180xf32>
    %iota3A = tpu.iota {dimensions = array<i32: 1>} : vector<2x180xi32>
    %argmax3A = tpu.reduce_index %select_n3A {axis = 1 : i32, kind = #tpu.reduction_kind<arg_max>} : vector<2x180xf32> -> vector<2xi32>
    %broadcast_in_dim3A_125 = vector.shape_cast %argmax3A : vector<2xi32> to vector<2x1xi32>
    %eq3A = vector.broadcast %broadcast_in_dim3A_125 : vector<2x1xi32> to vector<2x180xi32>
    %eq3A_126 = arith.cmpi eq, %iota3A, %eq3A : vector<2x180xi32>
    %jit3A_127 = arith.constant 0xFF800000 : f32
    %broadcast_in_dim3A_128 = vector.broadcast %jit3A_127 : f32 to vector<2x180xf32>
    %select_n3A_129 = arith.select %eq3A_126, %broadcast_in_dim3A_128, %select_n3A : vector<2x180xi1>, vector<2x180xf32>
    %argmax3A_130 = tpu.reduce_index %select_n3A_129 {axis = 1 : i32, kind = #tpu.reduction_kind<arg_max>} : vector<2x180xf32> -> vector<2xi32>
    %broadcast_in_dim3A_131 = vector.shape_cast %argmax3A_130 : vector<2xi32> to vector<2x1xi32>
    %jit3A_132 = arith.constant 0x7F800000 : f32
    %broadcast_in_dim3A_133 = vector.broadcast %jit3A_132 : f32 to vector<2x180xf32>
    %select_n3A_134 = arith.select %and3A_120, %add3A_106, %broadcast_in_dim3A_133 : vector<2x180xi1>, vector<2x180xf32>
    %reduce_min3A = arith.constant dense<0x7F800000> : vector<2xf32>
    %reduce_min3A_135 = vector.multi_reduction <minimumf>, %select_n3A_134, %reduce_min3A [1] : vector<2x180xf32> to vector<2xf32>
    %broadcast_in_dim3A_136 = vector.shape_cast %reduce_min3A_135 : vector<2xf32> to vector<2x1xf32>
    %eq3A_137 = vector.broadcast %broadcast_in_dim3A_136 : vector<2x1xf32> to vector<2x180xf32>
    %eq3A_138 = arith.cmpf oeq, %select_n3A_134, %eq3A_137 : vector<2x180xf32>
    %and3A_139 = arith.andi %and3A_120, %eq3A_138 : vector<2x180xi1>
    %jit3A_140 = arith.constant -1 : i32
    %broadcast_in_dim3A_141 = vector.broadcast %jit3A_140 : i32 to vector<2x180xi32>
    %select_n3A_142 = arith.select %and3A_139, %iota3A, %broadcast_in_dim3A_141 : vector<2x180xi1>, vector<2x180xi32>
    %reduce_max3A = arith.constant dense<-2147483648> : vector<2xi32>
    %reduce_max3A_143 = vector.multi_reduction <maxsi>, %select_n3A_142, %reduce_max3A [1] : vector<2x180xi32> to vector<2xi32>
    %broadcast_in_dim3A_144 = vector.shape_cast %reduce_max3A_143 : vector<2xi32> to vector<2x1xi32>
    %argmax3A_145 = tpu.reduce_index %add3A_106 {axis = 1 : i32, kind = #tpu.reduction_kind<arg_max>} : vector<2x180xf32> -> vector<2xi32>
    %broadcast_in_dim3A_146 = vector.shape_cast %argmax3A_145 : vector<2xi32> to vector<2x1xi32>
    %ge3A = arith.constant 1 : i32
    %ge3A_147 = vector.broadcast %ge3A : i32 to vector<2x1xi32>
    %ge3A_148 = arith.cmpi sge, %broadcast_in_dim3A_123, %ge3A_147 : vector<2x1xi32>
    %select_n3A_149 = arith.select %ge3A_148, %broadcast_in_dim3A_125, %broadcast_in_dim3A_146 : vector<2x1xi1>, vector<2x1xi32>
    %ge3A_150 = arith.constant 2 : i32
    %ge3A_151 = vector.broadcast %ge3A_150 : i32 to vector<2x1xi32>
    %ge3A_152 = arith.cmpi sge, %broadcast_in_dim3A_123, %ge3A_151 : vector<2x1xi32>
    %eq3A_153 = arith.constant 1 : i32
    %eq3A_154 = vector.broadcast %eq3A_153 : i32 to vector<2x1xi32>
    %eq3A_155 = arith.cmpi eq, %broadcast_in_dim3A_123, %eq3A_154 : vector<2x1xi32>
    %select_n3A_156 = arith.select %eq3A_155, %broadcast_in_dim3A_144, %broadcast_in_dim3A_146 : vector<2x1xi1>, vector<2x1xi32>
    %select_n3A_157 = arith.select %ge3A_152, %broadcast_in_dim3A_131, %select_n3A_156 : vector<2x1xi1>, vector<2x1xi32>
    %get3A_158 = arith.constant 0 : index
    %get3A_159 = arith.constant 0 : index
    %get3A_160 = vector.load %arg1[%get3A_158, %get3A_159] : memref<1x180xf32, #tpu.memory_space<vmem>>, vector<1x180xf32>
    %eq3A_161 = vector.broadcast %select_n3A_149 : vector<2x1xi32> to vector<2x180xi32>
    %eq3A_162 = arith.cmpi eq, %iota3A, %eq3A_161 : vector<2x180xi32>
    %jit3A_163 = arith.constant 0.000000e+00 : f32
    %broadcast_in_dim3A_164 = vector.shape_cast %get3A_160 : vector<1x180xf32> to vector<1x180xf32>
    %broadcast_in_dim3A_165 = vector.broadcast %broadcast_in_dim3A_164 : vector<1x180xf32> to vector<2x180xf32>
    %broadcast_in_dim3A_166 = vector.broadcast %jit3A_163 : f32 to vector<2x180xf32>
    %select_n3A_167 = arith.select %eq3A_162, %broadcast_in_dim3A_165, %broadcast_in_dim3A_166 : vector<2x180xi1>, vector<2x180xf32>
    %reduce_sum3A_168 = arith.constant dense<0.000000e+00> : vector<2xf32>
    %reduce_sum3A_169 = vector.multi_reduction <add>, %select_n3A_167, %reduce_sum3A_168 [1] : vector<2x180xf32> to vector<2xf32>
    %broadcast_in_dim3A_170 = vector.shape_cast %reduce_sum3A_169 : vector<2xf32> to vector<2x1xf32>
    %eq3A_171 = vector.broadcast %select_n3A_157 : vector<2x1xi32> to vector<2x180xi32>
    %eq3A_172 = arith.cmpi eq, %iota3A, %eq3A_171 : vector<2x180xi32>
    %jit3A_173 = arith.constant 0.000000e+00 : f32
    %broadcast_in_dim3A_174 = vector.shape_cast %get3A_160 : vector<1x180xf32> to vector<1x180xf32>
    %broadcast_in_dim3A_175 = vector.broadcast %broadcast_in_dim3A_174 : vector<1x180xf32> to vector<2x180xf32>
    %broadcast_in_dim3A_176 = vector.broadcast %jit3A_173 : f32 to vector<2x180xf32>
    %select_n3A_177 = arith.select %eq3A_172, %broadcast_in_dim3A_175, %broadcast_in_dim3A_176 : vector<2x180xi1>, vector<2x180xf32>
    %reduce_sum3A_178 = arith.constant dense<0.000000e+00> : vector<2xf32>
    %reduce_sum3A_179 = vector.multi_reduction <add>, %select_n3A_177, %reduce_sum3A_178 [1] : vector<2x180xf32> to vector<2xf32>
    %broadcast_in_dim3A_180 = vector.shape_cast %reduce_sum3A_179 : vector<2xf32> to vector<2x1xf32>
    %concatenate3A_181 = tpu.concatenate %broadcast_in_dim3A_170, %broadcast_in_dim3A_180 in 1 : vector<2x1xf32>, vector<2x1xf32> -> vector<2x2xf32>
    %swap3A = arith.constant 0 : index
    %swap3A_182 = arith.constant 0 : index
    %swap3A_183 = vector.load %arg2[%swap3A, %swap3A_182] : memref<2x2xf32, #tpu.memory_space<vmem>>, vector<2x2xf32>
    tpu.vector_store %arg2[%swap3A, %swap3A_182], %concatenate3A_181 {strides = array<i32>} : memref<2x2xf32, #tpu.memory_space<vmem>>, vector<2x2xf32>,
    return
  }
}

module attributes {stable_mosaic.version = 14 : i64} {
  func.func @_gain_inv_kernel(%arg0: i32, %arg1: memref<1x1x384x384xf32, #tpu.memory_space<vmem>>, %arg2: memref<1x1x384x384xf32, #tpu.memory_space<vmem>>, %arg3: memref<384x384xf32, #tpu.memory_space<vmem>>, %arg4: memref<384x384xf32, #tpu.memory_space<vmem>>, %arg5: memref<384x384xf32, #tpu.memory_space<vmem>>, %arg6: memref<384x384xf32, #tpu.memory_space<vmem>>, %arg7: memref<384x384xf32, #tpu.memory_space<vmem>>, %arg8: memref<384x384xf32, #tpu.memory_space<vmem>>, %arg9: memref<2x2xf32, #tpu.memory_space<vmem>>, %arg10: memref<1x1x384x384xf32, #tpu.memory_space<vmem>>) attributes {dimension_semantics = [#tpu.dimension_semantics<arbitrary>], iteration_bounds = array<i64: 32>, scalar_prefetch = 0 : i64, scratch_operands = 0 : i64, tpu.core_type = #tpu.core_type<tc>, window_params = [{transform_indices = @transform_0, window_bounds = array<i64: 1, 1, 384, 384>}, {transform_indices = @transform_1, window_bounds = array<i64: 1, 1, 384, 384>}, {pipeline_mode = #tpu.pipeline_mode<synchronous>, transform_indices = @transform_2, window_bounds = array<i64: 384, 384>}, {pipeline_mode = #tpu.pipeline_mode<synchronous>, transform_indices = @transform_3, window_bounds = array<i64: 384, 384>}, {pipeline_mode = #tpu.pipeline_mode<synchronous>, transform_indices = @transform_4, window_bounds = array<i64: 384, 384>}, {pipeline_mode = #tpu.pipeline_mode<synchronous>, transform_indices = @transform_5, window_bounds = array<i64: 384, 384>}, {pipeline_mode = #tpu.pipeline_mode<synchronous>, transform_indices = @transform_6, window_bounds = array<i64: 384, 384>}, {pipeline_mode = #tpu.pipeline_mode<synchronous>, transform_indices = @transform_7, window_bounds = array<i64: 384, 384>}, {pipeline_mode = #tpu.pipeline_mode<synchronous>, transform_indices = @transform_8, window_bounds = array<i64: 2, 2>}, {transform_indices = @transform_9, window_bounds = array<i64: 1, 1, 384, 384>}]} {
    %div3A = arith.constant 16 : i32
    %div3A_0 = arith.divsi %arg0, %div3A : i32
    %get3A = arith.constant 0 : index
    %get3A_1 = arith.constant 0 : index
    %get3A_2 = vector.load %arg9[%get3A, %get3A_1] : memref<2x2xf32, #tpu.memory_space<vmem>>, vector<2x2xf32>
    %eq3A = arith.constant 0 : i32
    %eq3A_3 = arith.cmpi eq, %div3A_0, %eq3A : i32
    %slice3A = vector.extract_strided_slice %get3A_2 {offsets = [0, 0], sizes = [1, 1], strides = [1, 1]} : vector<2x2xf32> to vector<1x1xf32>
    %squeeze3A = vector.extract %slice3A[0, 0] : f32 from vector<1x1xf32>
    %slice3A_4 = vector.extract_strided_slice %get3A_2 {offsets = [1, 0], sizes = [1, 1], strides = [1, 1]} : vector<2x2xf32> to vector<1x1xf32>
    %squeeze3A_5 = vector.extract %slice3A_4[0, 0] : f32 from vector<1x1xf32>
    %select_n3A = arith.select %eq3A_3, %squeeze3A, %squeeze3A_5 : f32
    %eq3A_6 = arith.constant 0 : i32
    %eq3A_7 = arith.cmpi eq, %div3A_0, %eq3A_6 : i32
    %slice3A_8 = vector.extract_strided_slice %get3A_2 {offsets = [0, 1], sizes = [1, 1], strides = [1, 1]} : vector<2x2xf32> to vector<1x1xf32>
    %squeeze3A_9 = vector.extract %slice3A_8[0, 0] : f32 from vector<1x1xf32>
    %slice3A_10 = vector.extract_strided_slice %get3A_2 {offsets = [1, 1], sizes = [1, 1], strides = [1, 1]} : vector<2x2xf32> to vector<1x1xf32>
    %squeeze3A_11 = vector.extract %slice3A_10[0, 0] : f32 from vector<1x1xf32>
    %select_n3A_12 = arith.select %eq3A_7, %squeeze3A_9, %squeeze3A_11 : f32
    %get3A_13 = arith.constant 0 : index
    %get3A_14 = arith.constant 0 : index
    %get3A_15 = vector.load %arg7[%get3A_13, %get3A_14] : memref<384x384xf32, #tpu.memory_space<vmem>>, vector<384x384xf32>
    %get3A_16 = arith.constant 0 : index
    %get3A_17 = arith.constant 0 : index
    %get3A_18 = vector.load %arg8[%get3A_16, %get3A_17] : memref<384x384xf32, #tpu.memory_space<vmem>>, vector<384x384xf32>
    %gt3A = arith.constant 0.000000e+00 : f32
    %gt3A_19 = vector.broadcast %gt3A : f32 to vector<384x384xf32>
    %gt3A_20 = arith.cmpf ogt, %get3A_18, %gt3A_19 : vector<384x384xf32>
    %sub3A = vector.broadcast %select_n3A : f32 to vector<384x384xf32>
    %sub3A_21 = arith.subf %get3A_15, %sub3A : vector<384x384xf32>
    %abs3A = math.absf %sub3A_21 : vector<384x384xf32>
    %sub3A_22 = arith.constant 3.14159274 : f32
    %sub3A_23 = vector.broadcast %sub3A_22 : f32 to vector<384x384xf32>
    %sub3A_24 = arith.subf %sub3A_23, %abs3A : vector<384x384xf32>
    %min3A = arith.minimumf %abs3A, %sub3A_24 : vector<384x384xf32>
    %le3A = arith.constant 0.261799395 : f32
    %le3A_25 = vector.broadcast %le3A : f32 to vector<384x384xf32>
    %le3A_26 = arith.cmpf ole, %min3A, %le3A_25 : vector<384x384xf32>
    %sub3A_27 = vector.broadcast %select_n3A_12 : f32 to vector<384x384xf32>
    %sub3A_28 = arith.subf %get3A_15, %sub3A_27 : vector<384x384xf32>
    %abs3A_29 = math.absf %sub3A_28 : vector<384x384xf32>
    %sub3A_30 = arith.constant 3.14159274 : f32
    %sub3A_31 = vector.broadcast %sub3A_30 : f32 to vector<384x384xf32>
    %sub3A_32 = arith.subf %sub3A_31, %abs3A_29 : vector<384x384xf32>
    %min3A_33 = arith.minimumf %abs3A_29, %sub3A_32 : vector<384x384xf32>
    %le3A_34 = arith.constant 0.261799395 : f32
    %le3A_35 = vector.broadcast %le3A_34 : f32 to vector<384x384xf32>
    %le3A_36 = arith.cmpf ole, %min3A_33, %le3A_35 : vector<384x384xf32>
    %or3A = arith.ori %le3A_26, %le3A_36 : vector<384x384xi1>
    %and3A = arith.andi %or3A, %gt3A_20 : vector<384x384xi1>
    %jit3A = arith.constant 8.000000e-01 : f32
    %jit3A_37 = arith.constant 1.000000e+00 : f32
    %broadcast_in_dim3A = vector.broadcast %jit3A : f32 to vector<384x384xf32>
    %broadcast_in_dim3A_38 = vector.broadcast %jit3A_37 : f32 to vector<384x384xf32>
    %select_n3A_39 = arith.select %gt3A_20, %broadcast_in_dim3A, %broadcast_in_dim3A_38 : vector<384x384xi1>, vector<384x384xf32>
    %jit3A_40 = arith.constant 1.200000e+00 : f32
    %broadcast_in_dim3A_41 = vector.broadcast %jit3A_40 : f32 to vector<384x384xf32>
    %select_n3A_42 = arith.select %and3A, %broadcast_in_dim3A_41, %select_n3A_39 : vector<384x384xi1>, vector<384x384xf32>
    %get3A_43 = arith.constant 0 : index
    %get3A_44 = arith.constant 0 : index
    %get3A_45 = arith.constant 0 : index
    %get3A_46 = arith.constant 0 : index
    %get3A_47 = vector.load %arg1[%get3A_43, %get3A_44, %get3A_45, %get3A_46] : memref<1x1x384x384xf32, #tpu.memory_space<vmem>>, vector<1x1x384x384xf32>
    %get3A_48 = vector.shape_cast %get3A_47 : vector<1x1x384x384xf32> to vector<384x384xf32>
    %mul3A = arith.mulf %get3A_48, %select_n3A_42 : vector<384x384xf32>
    %get3A_49 = arith.constant 0 : index
    %get3A_50 = arith.constant 0 : index
    %get3A_51 = arith.constant 0 : index
    %get3A_52 = arith.constant 0 : index
    %get3A_53 = vector.load %arg2[%get3A_49, %get3A_50, %get3A_51, %get3A_52] : memref<1x1x384x384xf32, #tpu.memory_space<vmem>>, vector<1x1x384x384xf32>
    %get3A_54 = vector.shape_cast %get3A_53 : vector<1x1x384x384xf32> to vector<384x384xf32>
    %mul3A_55 = arith.mulf %get3A_54, %select_n3A_42 : vector<384x384xf32>
    %get3A_56 = arith.constant 0 : index
    %get3A_57 = arith.constant 0 : index
    %get3A_58 = vector.load %arg5[%get3A_56, %get3A_57] : memref<384x384xf32, #tpu.memory_space<vmem>>, vector<384x384xf32>
    %dot_general3A = arith.constant dense<0.000000e+00> : vector<384x384xf32>
    %dot_general3A_59 = tpu.matmul %mul3A, %get3A_58, %dot_general3A {dimension_numbers = #tpu.dot_dimension_numbers<[1], [0], [0], [1], [0, 0, 1, 1], [], []>, transpose_lhs_hint = false} : vector<384x384xf32>, vector<384x384xf32>, vector<384x384xf32> -> vector<384x384xf32>
    %get3A_60 = arith.constant 0 : index
    %get3A_61 = arith.constant 0 : index
    %get3A_62 = vector.load %arg6[%get3A_60, %get3A_61] : memref<384x384xf32, #tpu.memory_space<vmem>>, vector<384x384xf32>
    %dot_general3A_63 = arith.constant dense<0.000000e+00> : vector<384x384xf32>
    %dot_general3A_64 = tpu.matmul %mul3A_55, %get3A_62, %dot_general3A_63 {dimension_numbers = #tpu.dot_dimension_numbers<[1], [0], [0], [1], [0, 0, 1, 1], [], []>, transpose_lhs_hint = false} : vector<384x384xf32>, vector<384x384xf32>, vector<384x384xf32> -> vector<384x384xf32>
    %sub3A_65 = arith.subf %dot_general3A_59, %dot_general3A_64 : vector<384x384xf32>
    %get3A_66 = arith.constant 0 : index
    %get3A_67 = arith.constant 0 : index
    %get3A_68 = vector.load %arg6[%get3A_66, %get3A_67] : memref<384x384xf32, #tpu.memory_space<vmem>>, vector<384x384xf32>
    %dot_general3A_69 = arith.constant dense<0.000000e+00> : vector<384x384xf32>
    %dot_general3A_70 = tpu.matmul %mul3A, %get3A_68, %dot_general3A_69 {dimension_numbers = #tpu.dot_dimension_numbers<[1], [0], [0], [1], [0, 0, 1, 1], [], []>, transpose_lhs_hint = false} : vector<384x384xf32>, vector<384x384xf32>, vector<384x384xf32> -> vector<384x384xf32>
    %get3A_71 = arith.constant 0 : index
    %get3A_72 = arith.constant 0 : index
    %get3A_73 = vector.load %arg5[%get3A_71, %get3A_72] : memref<384x384xf32, #tpu.memory_space<vmem>>, vector<384x384xf32>
    %dot_general3A_74 = arith.constant dense<0.000000e+00> : vector<384x384xf32>
    %dot_general3A_75 = tpu.matmul %mul3A_55, %get3A_73, %dot_general3A_74 {dimension_numbers = #tpu.dot_dimension_numbers<[1], [0], [0], [1], [0, 0, 1, 1], [], []>, transpose_lhs_hint = false} : vector<384x384xf32>, vector<384x384xf32>, vector<384x384xf32> -> vector<384x384xf32>
    %add3A = arith.addf %dot_general3A_70, %dot_general3A_75 : vector<384x384xf32>
    %get3A_76 = arith.constant 0 : index
    %get3A_77 = arith.constant 0 : index
    %get3A_78 = vector.load %arg3[%get3A_76, %get3A_77] : memref<384x384xf32, #tpu.memory_space<vmem>>, vector<384x384xf32>
    %dot_general3A_79 = arith.constant dense<0.000000e+00> : vector<384x384xf32>
    %dot_general3A_80 = tpu.matmul %get3A_78, %sub3A_65, %dot_general3A_79 {dimension_numbers = #tpu.dot_dimension_numbers<[1], [0], [0], [1], [0, 0, 1, 1], [], []>, transpose_lhs_hint = false} : vector<384x384xf32>, vector<384x384xf32>, vector<384x384xf32> -> vector<384x384xf32>
    %get3A_81 = arith.constant 0 : index
    %get3A_82 = arith.constant 0 : index
    %get3A_83 = vector.load %arg4[%get3A_81, %get3A_82] : memref<384x384xf32, #tpu.memory_space<vmem>>, vector<384x384xf32>
    %dot_general3A_84 = arith.constant dense<0.000000e+00> : vector<384x384xf32>
    %dot_general3A_85 = tpu.matmul %get3A_83, %add3A, %dot_general3A_84 {dimension_numbers = #tpu.dot_dimension_numbers<[1], [0], [0], [1], [0, 0, 1, 1], [], []>, transpose_lhs_hint = false} : vector<384x384xf32>, vector<384x384xf32>, vector<384x384xf32> -> vector<384x384xf32>
    %sub3A_86 = arith.subf %dot_general3A_80, %dot_general3A_85 : vector<384x384xf32>
    %swap3A = arith.constant 0 : index
    %swap3A_87 = arith.constant 0 : index
    %swap3A_88 = arith.constant 0 : index
    %swap3A_89 = arith.constant 0 : index
    %swap3A_90 = vector.load %arg10[%swap3A, %swap3A_87, %swap3A_88, %swap3A_89] : memref<1x1x384x384xf32, #tpu.memory_space<vmem>>, vector<1x1x384x384xf32>
    %swap3A_91 = vector.shape_cast %swap3A_90 : vector<1x1x384x384xf32> to vector<384x384xf32>
    %swap3A_92 = vector.shape_cast %sub3A_86 : vector<384x384xf32> to vector<1x1x384x384xf32>
    tpu.vector_store %arg10[%swap3A, %swap3A_87, %swap3A_88, %swap3A_89], %swap3A_92 {strides = array<i32>} : memref<1x1x384x384xf32, #tpu.memory_space<vmem>>, vector<1x1x384x384xf32>,
    return
  }
  func.func @transform_0(%arg0: i32) -> (i32, i32, i32, i32) {
    %jit3A = arith.constant 16 : i32
    %div3A = arith.divsi %arg0, %jit3A : i32
    %sign3A = arith.constant 0 : i32
    %sign3A_0 = arith.cmpi sgt, %arg0, %sign3A : i32
    %sign3A_1 = arith.extui %sign3A_0 : i1 to i32
    %sign3A_2 = arith.constant 0 : i32
    %sign3A_3 = arith.cmpi slt, %arg0, %sign3A_2 : i32
    %sign3A_4 = arith.extui %sign3A_3 : i1 to i32
    %sign3A_5 = arith.subi %sign3A_1, %sign3A_4 : i32
    %sign3A_6 = arith.constant 0 : i32
    %sign3A_7 = arith.cmpi sgt, %jit3A, %sign3A_6 : i32
    %sign3A_8 = arith.extui %sign3A_7 : i1 to i32
    %sign3A_9 = arith.constant 0 : i32
    %sign3A_10 = arith.cmpi slt, %jit3A, %sign3A_9 : i32
    %sign3A_11 = arith.extui %sign3A_10 : i1 to i32
    %sign3A_12 = arith.subi %sign3A_8, %sign3A_11 : i32
    %ne3A = arith.cmpi ne, %sign3A_5, %sign3A_12 : i32
    %rem3A = arith.remsi %arg0, %jit3A : i32
    %ne3A_13 = arith.constant 0 : i32
    %ne3A_14 = arith.cmpi ne, %rem3A, %ne3A_13 : i32
    %and3A = arith.andi %ne3A, %ne3A_14 : i1
    %sub3A = arith.constant 1 : i32
    %sub3A_15 = arith.subi %div3A, %sub3A : i32
    %select_n3A = arith.select %and3A, %sub3A_15, %div3A : i32
    %jit3A_16 = arith.constant 16 : i32
    %eq3A = arith.constant 0 : i32
    %eq3A_17 = arith.cmpi eq, %jit3A_16, %eq3A : i32
    %jit3A_18 = arith.constant 1 : i32
    %select_n3A_19 = arith.select %eq3A_17, %jit3A_18, %jit3A_16 : i32
    %rem3A_20 = arith.remsi %arg0, %select_n3A_19 : i32
    %ne3A_21 = arith.constant 0 : i32
    %ne3A_22 = arith.cmpi ne, %rem3A_20, %ne3A_21 : i32
    %lt3A = arith.constant 0 : i32
    %lt3A_23 = arith.cmpi slt, %rem3A_20, %lt3A : i32
    %lt3A_24 = arith.constant 0 : i32
    %lt3A_25 = arith.cmpi slt, %select_n3A_19, %lt3A_24 : i32
    %ne3A_26 = arith.xori %lt3A_23, %lt3A_25 : i1
    %and3A_27 = arith.andi %ne3A_26, %ne3A_22 : i1
    %add3A = arith.addi %rem3A_20, %select_n3A_19 : i32
    %select_n3A_28 = arith.select %and3A_27, %add3A, %rem3A_20 : i32
    %c0_i32 = arith.constant 0 : i32
    %c0_i32_29 = arith.constant 0 : i32
    %c0_i32_30 = arith.constant 0 : i32
    return %select_n3A, %select_n3A_28, %c0_i32, %c0_i32_29 : i32, i32, i32, i32
  }
  func.func @transform_1(%arg0: i32) -> (i32, i32, i32, i32) {
    %jit3A = arith.constant 16 : i32
    %div3A = arith.divsi %arg0, %jit3A : i32
    %sign3A = arith.constant 0 : i32
    %sign3A_0 = arith.cmpi sgt, %arg0, %sign3A : i32
    %sign3A_1 = arith.extui %sign3A_0 : i1 to i32
    %sign3A_2 = arith.constant 0 : i32
    %sign3A_3 = arith.cmpi slt, %arg0, %sign3A_2 : i32
    %sign3A_4 = arith.extui %sign3A_3 : i1 to i32
    %sign3A_5 = arith.subi %sign3A_1, %sign3A_4 : i32
    %sign3A_6 = arith.constant 0 : i32
    %sign3A_7 = arith.cmpi sgt, %jit3A, %sign3A_6 : i32
    %sign3A_8 = arith.extui %sign3A_7 : i1 to i32
    %sign3A_9 = arith.constant 0 : i32
    %sign3A_10 = arith.cmpi slt, %jit3A, %sign3A_9 : i32
    %sign3A_11 = arith.extui %sign3A_10 : i1 to i32
    %sign3A_12 = arith.subi %sign3A_8, %sign3A_11 : i32
    %ne3A = arith.cmpi ne, %sign3A_5, %sign3A_12 : i32
    %rem3A = arith.remsi %arg0, %jit3A : i32
    %ne3A_13 = arith.constant 0 : i32
    %ne3A_14 = arith.cmpi ne, %rem3A, %ne3A_13 : i32
    %and3A = arith.andi %ne3A, %ne3A_14 : i1
    %sub3A = arith.constant 1 : i32
    %sub3A_15 = arith.subi %div3A, %sub3A : i32
    %select_n3A = arith.select %and3A, %sub3A_15, %div3A : i32
    %jit3A_16 = arith.constant 16 : i32
    %eq3A = arith.constant 0 : i32
    %eq3A_17 = arith.cmpi eq, %jit3A_16, %eq3A : i32
    %jit3A_18 = arith.constant 1 : i32
    %select_n3A_19 = arith.select %eq3A_17, %jit3A_18, %jit3A_16 : i32
    %rem3A_20 = arith.remsi %arg0, %select_n3A_19 : i32
    %ne3A_21 = arith.constant 0 : i32
    %ne3A_22 = arith.cmpi ne, %rem3A_20, %ne3A_21 : i32
    %lt3A = arith.constant 0 : i32
    %lt3A_23 = arith.cmpi slt, %rem3A_20, %lt3A : i32
    %lt3A_24 = arith.constant 0 : i32
    %lt3A_25 = arith.cmpi slt, %select_n3A_19, %lt3A_24 : i32
    %ne3A_26 = arith.xori %lt3A_23, %lt3A_25 : i1
    %and3A_27 = arith.andi %ne3A_26, %ne3A_22 : i1
    %add3A = arith.addi %rem3A_20, %select_n3A_19 : i32
    %select_n3A_28 = arith.select %and3A_27, %add3A, %rem3A_20 : i32
    %c0_i32 = arith.constant 0 : i32
    %c0_i32_29 = arith.constant 0 : i32
    %c0_i32_30 = arith.constant 0 : i32
    return %select_n3A, %select_n3A_28, %c0_i32, %c0_i32_29 : i32, i32, i32, i32
  }
  func.func @transform_2(%arg0: i32) -> (i32, i32) {
    %c0_i32 = arith.constant 0 : i32
    %c0_i32_0 = arith.constant 0 : i32
    %c0_i32_1 = arith.constant 0 : i32
    return %c0_i32, %c0_i32_0 : i32, i32
  }
  func.func @transform_3(%arg0: i32) -> (i32, i32) {
    %c0_i32 = arith.constant 0 : i32
    %c0_i32_0 = arith.constant 0 : i32
    %c0_i32_1 = arith.constant 0 : i32
    return %c0_i32, %c0_i32_0 : i32, i32
  }
  func.func @transform_4(%arg0: i32) -> (i32, i32) {
    %c0_i32 = arith.constant 0 : i32
    %c0_i32_0 = arith.constant 0 : i32
    %c0_i32_1 = arith.constant 0 : i32
    return %c0_i32, %c0_i32_0 : i32, i32
  }
  func.func @transform_5(%arg0: i32) -> (i32, i32) {
    %c0_i32 = arith.constant 0 : i32
    %c0_i32_0 = arith.constant 0 : i32
    %c0_i32_1 = arith.constant 0 : i32
    return %c0_i32, %c0_i32_0 : i32, i32
  }
  func.func @transform_6(%arg0: i32) -> (i32, i32) {
    %c0_i32 = arith.constant 0 : i32
    %c0_i32_0 = arith.constant 0 : i32
    %c0_i32_1 = arith.constant 0 : i32
    return %c0_i32, %c0_i32_0 : i32, i32
  }
  func.func @transform_7(%arg0: i32) -> (i32, i32) {
    %c0_i32 = arith.constant 0 : i32
    %c0_i32_0 = arith.constant 0 : i32
    %c0_i32_1 = arith.constant 0 : i32
    return %c0_i32, %c0_i32_0 : i32, i32
  }
  func.func @transform_8(%arg0: i32) -> (i32, i32) {
    %c0_i32 = arith.constant 0 : i32
    %c0_i32_0 = arith.constant 0 : i32
    %c0_i32_1 = arith.constant 0 : i32
    return %c0_i32, %c0_i32_0 : i32, i32
  }
  func.func @transform_9(%arg0: i32) -> (i32, i32, i32, i32) {
    %jit3A = arith.constant 16 : i32
    %div3A = arith.divsi %arg0, %jit3A : i32
    %sign3A = arith.constant 0 : i32
    %sign3A_0 = arith.cmpi sgt, %arg0, %sign3A : i32
    %sign3A_1 = arith.extui %sign3A_0 : i1 to i32
    %sign3A_2 = arith.constant 0 : i32
    %sign3A_3 = arith.cmpi slt, %arg0, %sign3A_2 : i32
    %sign3A_4 = arith.extui %sign3A_3 : i1 to i32
    %sign3A_5 = arith.subi %sign3A_1, %sign3A_4 : i32
    %sign3A_6 = arith.constant 0 : i32
    %sign3A_7 = arith.cmpi sgt, %jit3A, %sign3A_6 : i32
    %sign3A_8 = arith.extui %sign3A_7 : i1 to i32
    %sign3A_9 = arith.constant 0 : i32
    %sign3A_10 = arith.cmpi slt, %jit3A, %sign3A_9 : i32
    %sign3A_11 = arith.extui %sign3A_10 : i1 to i32
    %sign3A_12 = arith.subi %sign3A_8, %sign3A_11 : i32
    %ne3A = arith.cmpi ne, %sign3A_5, %sign3A_12 : i32
    %rem3A = arith.remsi %arg0, %jit3A : i32
    %ne3A_13 = arith.constant 0 : i32
    %ne3A_14 = arith.cmpi ne, %rem3A, %ne3A_13 : i32
    %and3A = arith.andi %ne3A, %ne3A_14 : i1
    %sub3A = arith.constant 1 : i32
    %sub3A_15 = arith.subi %div3A, %sub3A : i32
    %select_n3A = arith.select %and3A, %sub3A_15, %div3A : i32
    %jit3A_16 = arith.constant 16 : i32
    %eq3A = arith.constant 0 : i32
    %eq3A_17 = arith.cmpi eq, %jit3A_16, %eq3A : i32
    %jit3A_18 = arith.constant 1 : i32
    %select_n3A_19 = arith.select %eq3A_17, %jit3A_18, %jit3A_16 : i32
    %rem3A_20 = arith.remsi %arg0, %select_n3A_19 : i32
    %ne3A_21 = arith.constant 0 : i32
    %ne3A_22 = arith.cmpi ne, %rem3A_20, %ne3A_21 : i32
    %lt3A = arith.constant 0 : i32
    %lt3A_23 = arith.cmpi slt, %rem3A_20, %lt3A : i32
    %lt3A_24 = arith.constant 0 : i32
    %lt3A_25 = arith.cmpi slt, %select_n3A_19, %lt3A_24 : i32
    %ne3A_26 = arith.xori %lt3A_23, %lt3A_25 : i1
    %and3A_27 = arith.andi %ne3A_26, %ne3A_22 : i1
    %add3A = arith.addi %rem3A_20, %select_n3A_19 : i32
    %select_n3A_28 = arith.select %and3A_27, %add3A, %rem3A_20 : i32
    %c0_i32 = arith.constant 0 : i32
    %c0_i32_29 = arith.constant 0 : i32
    %c0_i32_30 = arith.constant 0 : i32
    return %select_n3A, %select_n3A_28, %c0_i32, %c0_i32_29 : i32, i32, i32, i32
  }
}

module attributes {stable_mosaic.version = 14 : i64} {
  func.func @_proj_out_kernel(%arg0: i32, %arg1: i32, %arg2: memref<256x16xf32, #tpu.memory_space<vmem>>, %arg3: memref<1x16x8x384xf32, #tpu.memory_space<vmem>>, %arg4: memref<1x256x8x384xf32, #tpu.memory_space<vmem>>, %arg5: memref<1x256x8x384xf32, #tpu.memory_space<vmem>>) attributes {dimension_semantics = [#tpu.dimension_semantics<arbitrary>, #tpu.dimension_semantics<arbitrary>], iteration_bounds = array<i64: 2, 48>, scalar_prefetch = 0 : i64, scratch_operands = 0 : i64, tpu.core_type = #tpu.core_type<tc>, window_params = [{pipeline_mode = #tpu.pipeline_mode<synchronous>, transform_indices = @transform_0, window_bounds = array<i64: 256, 16>}, {transform_indices = @transform_1, window_bounds = array<i64: 1, 16, 8, 384>}, {transform_indices = @transform_2, window_bounds = array<i64: 1, 256, 8, 384>}, {transform_indices = @transform_3, window_bounds = array<i64: 1, 256, 8, 384>}]} {
    %get3A = arith.constant 0 : index
    %get3A_0 = arith.constant 0 : index
    %get3A_1 = vector.load %arg2[%get3A, %get3A_0] : memref<256x16xf32, #tpu.memory_space<vmem>>, vector<256x16xf32>
    %get3A_2 = arith.constant 0 : index
    %get3A_3 = arith.constant 0 : index
    %get3A_4 = arith.constant 0 : index
    %get3A_5 = arith.constant 0 : index
    %get3A_6 = vector.load %arg3[%get3A_2, %get3A_3, %get3A_4, %get3A_5] : memref<1x16x8x384xf32, #tpu.memory_space<vmem>>, vector<1x16x1x384xf32>
    %get3A_7 = vector.shape_cast %get3A_6 : vector<1x16x1x384xf32> to vector<16x384xf32>
    %dot_general3A = arith.constant dense<0.000000e+00> : vector<256x384xf32>
    %dot_general3A_8 = tpu.matmul %get3A_1, %get3A_7, %dot_general3A {dimension_numbers = #tpu.dot_dimension_numbers<[1], [0], [0], [1], [0, 0, 1, 1], [], []>, transpose_lhs_hint = false} : vector<256x16xf32>, vector<16x384xf32>, vector<256x384xf32> -> vector<256x384xf32>
    %get3A_9 = arith.constant 0 : index
    %get3A_10 = arith.constant 0 : index
    %get3A_11 = arith.constant 0 : index
    %get3A_12 = arith.constant 0 : index
    %get3A_13 = vector.load %arg4[%get3A_9, %get3A_10, %get3A_11, %get3A_12] : memref<1x256x8x384xf32, #tpu.memory_space<vmem>>, vector<1x256x1x384xf32>
    %get3A_14 = vector.shape_cast %get3A_13 : vector<1x256x1x384xf32> to vector<256x384xf32>
    %add3A = arith.addf %dot_general3A_8, %get3A_14 : vector<256x384xf32>
    %swap3A = arith.constant 0 : index
    %swap3A_15 = arith.constant 0 : index
    %swap3A_16 = arith.constant 0 : index
    %swap3A_17 = arith.constant 0 : index
    %swap3A_18 = vector.load %arg5[%swap3A, %swap3A_15, %swap3A_16, %swap3A_17] : memref<1x256x8x384xf32, #tpu.memory_space<vmem>>, vector<1x256x1x384xf32>
    %swap3A_19 = vector.shape_cast %swap3A_18 : vector<1x256x1x384xf32> to vector<256x384xf32>
    %swap3A_20 = vector.shape_cast %add3A : vector<256x384xf32> to vector<1x256x1x384xf32>
    tpu.vector_store %arg5[%swap3A, %swap3A_15, %swap3A_16, %swap3A_17], %swap3A_20 {strides = array<i32>} : memref<1x256x8x384xf32, #tpu.memory_space<vmem>>, vector<1x256x1x384xf32>,
    %get3A_21 = arith.constant 0 : index
    %get3A_22 = arith.constant 0 : index
    %get3A_23 = arith.constant 1 : index
    %get3A_24 = arith.constant 0 : index
    %get3A_25 = vector.load %arg3[%get3A_21, %get3A_22, %get3A_23, %get3A_24] : memref<1x16x8x384xf32, #tpu.memory_space<vmem>>, vector<1x16x1x384xf32>
    %get3A_26 = vector.shape_cast %get3A_25 : vector<1x16x1x384xf32> to vector<16x384xf32>
    %dot_general3A_27 = arith.constant dense<0.000000e+00> : vector<256x384xf32>
    %dot_general3A_28 = tpu.matmul %get3A_1, %get3A_26, %dot_general3A_27 {dimension_numbers = #tpu.dot_dimension_numbers<[1], [0], [0], [1], [0, 0, 1, 1], [], []>, transpose_lhs_hint = false} : vector<256x16xf32>, vector<16x384xf32>, vector<256x384xf32> -> vector<256x384xf32>
    %get3A_29 = arith.constant 0 : index
    %get3A_30 = arith.constant 0 : index
    %get3A_31 = arith.constant 1 : index
    %get3A_32 = arith.constant 0 : index
    %get3A_33 = vector.load %arg4[%get3A_29, %get3A_30, %get3A_31, %get3A_32] : memref<1x256x8x384xf32, #tpu.memory_space<vmem>>, vector<1x256x1x384xf32>
    %get3A_34 = vector.shape_cast %get3A_33 : vector<1x256x1x384xf32> to vector<256x384xf32>
    %add3A_35 = arith.addf %dot_general3A_28, %get3A_34 : vector<256x384xf32>
    %swap3A_36 = arith.constant 0 : index
    %swap3A_37 = arith.constant 0 : index
    %swap3A_38 = arith.constant 1 : index
    %swap3A_39 = arith.constant 0 : index
    %swap3A_40 = vector.load %arg5[%swap3A_36, %swap3A_37, %swap3A_38, %swap3A_39] : memref<1x256x8x384xf32, #tpu.memory_space<vmem>>, vector<1x256x1x384xf32>
    %swap3A_41 = vector.shape_cast %swap3A_40 : vector<1x256x1x384xf32> to vector<256x384xf32>
    %swap3A_42 = vector.shape_cast %add3A_35 : vector<256x384xf32> to vector<1x256x1x384xf32>
    tpu.vector_store %arg5[%swap3A_36, %swap3A_37, %swap3A_38, %swap3A_39], %swap3A_42 {strides = array<i32>} : memref<1x256x8x384xf32, #tpu.memory_space<vmem>>, vector<1x256x1x384xf32>,
    %get3A_43 = arith.constant 0 : index
    %get3A_44 = arith.constant 0 : index
    %get3A_45 = arith.constant 2 : index
    %get3A_46 = arith.constant 0 : index
    %get3A_47 = vector.load %arg3[%get3A_43, %get3A_44, %get3A_45, %get3A_46] : memref<1x16x8x384xf32, #tpu.memory_space<vmem>>, vector<1x16x1x384xf32>
    %get3A_48 = vector.shape_cast %get3A_47 : vector<1x16x1x384xf32> to vector<16x384xf32>
    %dot_general3A_49 = arith.constant dense<0.000000e+00> : vector<256x384xf32>
    %dot_general3A_50 = tpu.matmul %get3A_1, %get3A_48, %dot_general3A_49 {dimension_numbers = #tpu.dot_dimension_numbers<[1], [0], [0], [1], [0, 0, 1, 1], [], []>, transpose_lhs_hint = false} : vector<256x16xf32>, vector<16x384xf32>, vector<256x384xf32> -> vector<256x384xf32>
    %get3A_51 = arith.constant 0 : index
    %get3A_52 = arith.constant 0 : index
    %get3A_53 = arith.constant 2 : index
    %get3A_54 = arith.constant 0 : index
    %get3A_55 = vector.load %arg4[%get3A_51, %get3A_52, %get3A_53, %get3A_54] : memref<1x256x8x384xf32, #tpu.memory_space<vmem>>, vector<1x256x1x384xf32>
    %get3A_56 = vector.shape_cast %get3A_55 : vector<1x256x1x384xf32> to vector<256x384xf32>
    %add3A_57 = arith.addf %dot_general3A_50, %get3A_56 : vector<256x384xf32>
    %swap3A_58 = arith.constant 0 : index
    %swap3A_59 = arith.constant 0 : index
    %swap3A_60 = arith.constant 2 : index
    %swap3A_61 = arith.constant 0 : index
    %swap3A_62 = vector.load %arg5[%swap3A_58, %swap3A_59, %swap3A_60, %swap3A_61] : memref<1x256x8x384xf32, #tpu.memory_space<vmem>>, vector<1x256x1x384xf32>
    %swap3A_63 = vector.shape_cast %swap3A_62 : vector<1x256x1x384xf32> to vector<256x384xf32>
    %swap3A_64 = vector.shape_cast %add3A_57 : vector<256x384xf32> to vector<1x256x1x384xf32>
    tpu.vector_store %arg5[%swap3A_58, %swap3A_59, %swap3A_60, %swap3A_61], %swap3A_64 {strides = array<i32>} : memref<1x256x8x384xf32, #tpu.memory_space<vmem>>, vector<1x256x1x384xf32>,
    %get3A_65 = arith.constant 0 : index
    %get3A_66 = arith.constant 0 : index
    %get3A_67 = arith.constant 3 : index
    %get3A_68 = arith.constant 0 : index
    %get3A_69 = vector.load %arg3[%get3A_65, %get3A_66, %get3A_67, %get3A_68] : memref<1x16x8x384xf32, #tpu.memory_space<vmem>>, vector<1x16x1x384xf32>
    %get3A_70 = vector.shape_cast %get3A_69 : vector<1x16x1x384xf32> to vector<16x384xf32>
    %dot_general3A_71 = arith.constant dense<0.000000e+00> : vector<256x384xf32>
    %dot_general3A_72 = tpu.matmul %get3A_1, %get3A_70, %dot_general3A_71 {dimension_numbers = #tpu.dot_dimension_numbers<[1], [0], [0], [1], [0, 0, 1, 1], [], []>, transpose_lhs_hint = false} : vector<256x16xf32>, vector<16x384xf32>, vector<256x384xf32> -> vector<256x384xf32>
    %get3A_73 = arith.constant 0 : index
    %get3A_74 = arith.constant 0 : index
    %get3A_75 = arith.constant 3 : index
    %get3A_76 = arith.constant 0 : index
    %get3A_77 = vector.load %arg4[%get3A_73, %get3A_74, %get3A_75, %get3A_76] : memref<1x256x8x384xf32, #tpu.memory_space<vmem>>, vector<1x256x1x384xf32>
    %get3A_78 = vector.shape_cast %get3A_77 : vector<1x256x1x384xf32> to vector<256x384xf32>
    %add3A_79 = arith.addf %dot_general3A_72, %get3A_78 : vector<256x384xf32>
    %swap3A_80 = arith.constant 0 : index
    %swap3A_81 = arith.constant 0 : index
    %swap3A_82 = arith.constant 3 : index
    %swap3A_83 = arith.constant 0 : index
    %swap3A_84 = vector.load %arg5[%swap3A_80, %swap3A_81, %swap3A_82, %swap3A_83] : memref<1x256x8x384xf32, #tpu.memory_space<vmem>>, vector<1x256x1x384xf32>
    %swap3A_85 = vector.shape_cast %swap3A_84 : vector<1x256x1x384xf32> to vector<256x384xf32>
    %swap3A_86 = vector.shape_cast %add3A_79 : vector<256x384xf32> to vector<1x256x1x384xf32>
    tpu.vector_store %arg5[%swap3A_80, %swap3A_81, %swap3A_82, %swap3A_83], %swap3A_86 {strides = array<i32>} : memref<1x256x8x384xf32, #tpu.memory_space<vmem>>, vector<1x256x1x384xf32>,
    %get3A_87 = arith.constant 0 : index
    %get3A_88 = arith.constant 0 : index
    %get3A_89 = arith.constant 4 : index
    %get3A_90 = arith.constant 0 : index
    %get3A_91 = vector.load %arg3[%get3A_87, %get3A_88, %get3A_89, %get3A_90] : memref<1x16x8x384xf32, #tpu.memory_space<vmem>>, vector<1x16x1x384xf32>
    %get3A_92 = vector.shape_cast %get3A_91 : vector<1x16x1x384xf32> to vector<16x384xf32>
    %dot_general3A_93 = arith.constant dense<0.000000e+00> : vector<256x384xf32>
    %dot_general3A_94 = tpu.matmul %get3A_1, %get3A_92, %dot_general3A_93 {dimension_numbers = #tpu.dot_dimension_numbers<[1], [0], [0], [1], [0, 0, 1, 1], [], []>, transpose_lhs_hint = false} : vector<256x16xf32>, vector<16x384xf32>, vector<256x384xf32> -> vector<256x384xf32>
    %get3A_95 = arith.constant 0 : index
    %get3A_96 = arith.constant 0 : index
    %get3A_97 = arith.constant 4 : index
    %get3A_98 = arith.constant 0 : index
    %get3A_99 = vector.load %arg4[%get3A_95, %get3A_96, %get3A_97, %get3A_98] : memref<1x256x8x384xf32, #tpu.memory_space<vmem>>, vector<1x256x1x384xf32>
    %get3A_100 = vector.shape_cast %get3A_99 : vector<1x256x1x384xf32> to vector<256x384xf32>
    %add3A_101 = arith.addf %dot_general3A_94, %get3A_100 : vector<256x384xf32>
    %swap3A_102 = arith.constant 0 : index
    %swap3A_103 = arith.constant 0 : index
    %swap3A_104 = arith.constant 4 : index
    %swap3A_105 = arith.constant 0 : index
    %swap3A_106 = vector.load %arg5[%swap3A_102, %swap3A_103, %swap3A_104, %swap3A_105] : memref<1x256x8x384xf32, #tpu.memory_space<vmem>>, vector<1x256x1x384xf32>
    %swap3A_107 = vector.shape_cast %swap3A_106 : vector<1x256x1x384xf32> to vector<256x384xf32>
    %swap3A_108 = vector.shape_cast %add3A_101 : vector<256x384xf32> to vector<1x256x1x384xf32>
    tpu.vector_store %arg5[%swap3A_102, %swap3A_103, %swap3A_104, %swap3A_105], %swap3A_108 {strides = array<i32>} : memref<1x256x8x384xf32, #tpu.memory_space<vmem>>, vector<1x256x1x384xf32>,
    %get3A_109 = arith.constant 0 : index
    %get3A_110 = arith.constant 0 : index
    %get3A_111 = arith.constant 5 : index
    %get3A_112 = arith.constant 0 : index
    %get3A_113 = vector.load %arg3[%get3A_109, %get3A_110, %get3A_111, %get3A_112] : memref<1x16x8x384xf32, #tpu.memory_space<vmem>>, vector<1x16x1x384xf32>
    %get3A_114 = vector.shape_cast %get3A_113 : vector<1x16x1x384xf32> to vector<16x384xf32>
    %dot_general3A_115 = arith.constant dense<0.000000e+00> : vector<256x384xf32>
    %dot_general3A_116 = tpu.matmul %get3A_1, %get3A_114, %dot_general3A_115 {dimension_numbers = #tpu.dot_dimension_numbers<[1], [0], [0], [1], [0, 0, 1, 1], [], []>, transpose_lhs_hint = false} : vector<256x16xf32>, vector<16x384xf32>, vector<256x384xf32> -> vector<256x384xf32>
    %get3A_117 = arith.constant 0 : index
    %get3A_118 = arith.constant 0 : index
    %get3A_119 = arith.constant 5 : index
    %get3A_120 = arith.constant 0 : index
    %get3A_121 = vector.load %arg4[%get3A_117, %get3A_118, %get3A_119, %get3A_120] : memref<1x256x8x384xf32, #tpu.memory_space<vmem>>, vector<1x256x1x384xf32>
    %get3A_122 = vector.shape_cast %get3A_121 : vector<1x256x1x384xf32> to vector<256x384xf32>
    %add3A_123 = arith.addf %dot_general3A_116, %get3A_122 : vector<256x384xf32>
    %swap3A_124 = arith.constant 0 : index
    %swap3A_125 = arith.constant 0 : index
    %swap3A_126 = arith.constant 5 : index
    %swap3A_127 = arith.constant 0 : index
    %swap3A_128 = vector.load %arg5[%swap3A_124, %swap3A_125, %swap3A_126, %swap3A_127] : memref<1x256x8x384xf32, #tpu.memory_space<vmem>>, vector<1x256x1x384xf32>
    %swap3A_129 = vector.shape_cast %swap3A_128 : vector<1x256x1x384xf32> to vector<256x384xf32>
    %swap3A_130 = vector.shape_cast %add3A_123 : vector<256x384xf32> to vector<1x256x1x384xf32>
    tpu.vector_store %arg5[%swap3A_124, %swap3A_125, %swap3A_126, %swap3A_127], %swap3A_130 {strides = array<i32>} : memref<1x256x8x384xf32, #tpu.memory_space<vmem>>, vector<1x256x1x384xf32>,
    %get3A_131 = arith.constant 0 : index
    %get3A_132 = arith.constant 0 : index
    %get3A_133 = arith.constant 6 : index
    %get3A_134 = arith.constant 0 : index
    %get3A_135 = vector.load %arg3[%get3A_131, %get3A_132, %get3A_133, %get3A_134] : memref<1x16x8x384xf32, #tpu.memory_space<vmem>>, vector<1x16x1x384xf32>
    %get3A_136 = vector.shape_cast %get3A_135 : vector<1x16x1x384xf32> to vector<16x384xf32>
    %dot_general3A_137 = arith.constant dense<0.000000e+00> : vector<256x384xf32>
    %dot_general3A_138 = tpu.matmul %get3A_1, %get3A_136, %dot_general3A_137 {dimension_numbers = #tpu.dot_dimension_numbers<[1], [0], [0], [1], [0, 0, 1, 1], [], []>, transpose_lhs_hint = false} : vector<256x16xf32>, vector<16x384xf32>, vector<256x384xf32> -> vector<256x384xf32>
    %get3A_139 = arith.constant 0 : index
    %get3A_140 = arith.constant 0 : index
    %get3A_141 = arith.constant 6 : index
    %get3A_142 = arith.constant 0 : index
    %get3A_143 = vector.load %arg4[%get3A_139, %get3A_140, %get3A_141, %get3A_142] : memref<1x256x8x384xf32, #tpu.memory_space<vmem>>, vector<1x256x1x384xf32>
    %get3A_144 = vector.shape_cast %get3A_143 : vector<1x256x1x384xf32> to vector<256x384xf32>
    %add3A_145 = arith.addf %dot_general3A_138, %get3A_144 : vector<256x384xf32>
    %swap3A_146 = arith.constant 0 : index
    %swap3A_147 = arith.constant 0 : index
    %swap3A_148 = arith.constant 6 : index
    %swap3A_149 = arith.constant 0 : index
    %swap3A_150 = vector.load %arg5[%swap3A_146, %swap3A_147, %swap3A_148, %swap3A_149] : memref<1x256x8x384xf32, #tpu.memory_space<vmem>>, vector<1x256x1x384xf32>
    %swap3A_151 = vector.shape_cast %swap3A_150 : vector<1x256x1x384xf32> to vector<256x384xf32>
    %swap3A_152 = vector.shape_cast %add3A_145 : vector<256x384xf32> to vector<1x256x1x384xf32>
    tpu.vector_store %arg5[%swap3A_146, %swap3A_147, %swap3A_148, %swap3A_149], %swap3A_152 {strides = array<i32>} : memref<1x256x8x384xf32, #tpu.memory_space<vmem>>, vector<1x256x1x384xf32>,
    %get3A_153 = arith.constant 0 : index
    %get3A_154 = arith.constant 0 : index
    %get3A_155 = arith.constant 7 : index
    %get3A_156 = arith.constant 0 : index
    %get3A_157 = vector.load %arg3[%get3A_153, %get3A_154, %get3A_155, %get3A_156] : memref<1x16x8x384xf32, #tpu.memory_space<vmem>>, vector<1x16x1x384xf32>
    %get3A_158 = vector.shape_cast %get3A_157 : vector<1x16x1x384xf32> to vector<16x384xf32>
    %dot_general3A_159 = arith.constant dense<0.000000e+00> : vector<256x384xf32>
    %dot_general3A_160 = tpu.matmul %get3A_1, %get3A_158, %dot_general3A_159 {dimension_numbers = #tpu.dot_dimension_numbers<[1], [0], [0], [1], [0, 0, 1, 1], [], []>, transpose_lhs_hint = false} : vector<256x16xf32>, vector<16x384xf32>, vector<256x384xf32> -> vector<256x384xf32>
    %get3A_161 = arith.constant 0 : index
    %get3A_162 = arith.constant 0 : index
    %get3A_163 = arith.constant 7 : index
    %get3A_164 = arith.constant 0 : index
    %get3A_165 = vector.load %arg4[%get3A_161, %get3A_162, %get3A_163, %get3A_164] : memref<1x256x8x384xf32, #tpu.memory_space<vmem>>, vector<1x256x1x384xf32>
    %get3A_166 = vector.shape_cast %get3A_165 : vector<1x256x1x384xf32> to vector<256x384xf32>
    %add3A_167 = arith.addf %dot_general3A_160, %get3A_166 : vector<256x384xf32>
    %swap3A_168 = arith.constant 0 : index
    %swap3A_169 = arith.constant 0 : index
    %swap3A_170 = arith.constant 7 : index
    %swap3A_171 = arith.constant 0 : index
    %swap3A_172 = vector.load %arg5[%swap3A_168, %swap3A_169, %swap3A_170, %swap3A_171] : memref<1x256x8x384xf32, #tpu.memory_space<vmem>>, vector<1x256x1x384xf32>
    %swap3A_173 = vector.shape_cast %swap3A_172 : vector<1x256x1x384xf32> to vector<256x384xf32>
    %swap3A_174 = vector.shape_cast %add3A_167 : vector<256x384xf32> to vector<1x256x1x384xf32>
    tpu.vector_store %arg5[%swap3A_168, %swap3A_169, %swap3A_170, %swap3A_171], %swap3A_174 {strides = array<i32>} : memref<1x256x8x384xf32, #tpu.memory_space<vmem>>, vector<1x256x1x384xf32>,
    return
  }
  func.func @transform_0(%arg0: i32, %arg1: i32) -> (i32, i32) {
    %c0_i32 = arith.constant 0 : i32
    %c0_i32_0 = arith.constant 0 : i32
    %c0_i32_1 = arith.constant 0 : i32
    return %c0_i32, %c0_i32_0 : i32, i32
  }
  func.func @transform_1(%arg0: i32, %arg1: i32) -> (i32, i32, i32, i32) {
    %c0_i32 = arith.constant 0 : i32
    %c0_i32_0 = arith.constant 0 : i32
    %c0_i32_1 = arith.constant 0 : i32
    return %arg0, %c0_i32, %arg1, %c0_i32_0 : i32, i32, i32, i32
  }
  func.func @transform_2(%arg0: i32, %arg1: i32) -> (i32, i32, i32, i32) {
    %c0_i32 = arith.constant 0 : i32
    %c0_i32_0 = arith.constant 0 : i32
    %c0_i32_1 = arith.constant 0 : i32
    return %arg0, %c0_i32, %arg1, %c0_i32_0 : i32, i32, i32, i32
  }
  func.func @transform_3(%arg0: i32, %arg1: i32) -> (i32, i32, i32, i32) {
    %c0_i32 = arith.constant 0 : i32
    %c0_i32_0 = arith.constant 0 : i32
    %c0_i32_1 = arith.constant 0 : i32
    return %arg0, %c0_i32, %arg1, %c0_i32_0 : i32, i32, i32, i32
  }
}

</mosaic_0001>

<sc_bundles>
// kernel: kernel.8.cloned.1.call-start
scs
__scs_entry_jumppad:
0x0: {  	(pc) =	sbr.rel $0x88, $3  }
0x1: {  	(tag) =	ssettag $0x0;
	lr =	simm.s32 $0x1  }
0x2: {  	[smem:$0x3F9E] =	sst lr;
	_ =	strace $0xD0000000  }
0x3: {  	_ = 	snop  }
0x4: {  	_ = 	snop  }
0x5: {  	_ = 	snop  }
0x6: {  	_ = 	snop  }
0x7: {  	_ = 	snop  }
__scs_overlays_trampoline_lowered:
0x8: {  	[smem:$0x3FAD] =	sst s0  }
0x9: {  	[smem:$0x3FAE] =	sst s1  }
0xa: {  	[smem:$0x3FAF] =	sst s2  }
0xb: {  	[smem:$0x3FB0] =	sst s3  }
0xc: {  	[smem:$0x3FB1] =	sst s4  }
0xd: {  	[smem:$0x3FB2] =	sst s5  }
0xe: {  	[smem:$0x3FB3] =	sst s6  }
0xf: {  	[smem:$0x3FB4] =	sst s7  }
0x10: {  	[smem:$0x3FB5] =	sst s8  }
0x11: {  	[smem:$0x3FB6] =	sst s9;
	s0 =	simm.s32 @!p0 $0x0  }
0x12: {  	s1 =	sld [smem:$0x3F9C];
	s0 =	simm.s32 @p0 $0x1  }
0x13: {  	[smem:$0x3FB7] =	sst s0;
	s0 =	simm.s32 @!p1 $0x0  }
0x14: {  	s2 =	sld [smem:$0x3F9B];
	s0 =	simm.s32 @p1 $0x1  }
0x15: {  	[smem:$0x3FB8] =	sst s0;
	s0 =	simm.s32 @!p2 $0x0  }
0x16: {  	s3 =	sld [smem:$0x3FDB];
	s0 =	simm.s32 @p2 $0x1  }
0x17: {  	s4 =	simm.s32 $0x1BF5;
	[smem:$0x3FBA] =	sst s0  }
0x18: {  	s0 =	sld [smem:$0x3F9D];
	_ =	swait.ge [sflag:s4], $0x0  }
0x19: {  	s7 =	sld [smem:$0x3F9E]  }
0x1a: {  	s8 =	sadd.s32 $0xFFFFE003, lr  }
0x1b: {  	s9 =	sadd.s32 $0xFFFFFEF7, lr;
	s5 =	simm.s32 $0xFFFFFFFF;
	p2 =	slt.u32 s8, $0xFFFFF086  }
0x1c: {  	p1 =	slt.u32 s9, $0xF7A;
	s5 =	simm.s32 @!p2 $0x0  }
0x1d: {  	s5 =	simm.s32 @p1 $0x1;
	p0 =	seq.s32 s7, s2  }
0x1e: {  	s7 =	smul.u32 @!p0 $0xF7A, s2;
	p2 =	seq.s32 @!p0 s5, $0x0  }
0x1f: {  	s9 =	smul.u32 $0xF7A, s1;
	s8 =	simm.s32 @!p0 $0x1BF5;
	p2 =	por !p2, p0  }
0x20: {  	[sflag:s8] =	ssyncset.s32 @!p0 $0xFFFFF086;
	s6 =	sadd.s32 @!p0 s3, s7;
	s7 =	simm.s32 @!p0 $0x108  }
0x21: {  	s3 =	sadd.s32 s3, s9;
	s6 =	sadd.s32 @!p0 $0x88, s6;
	s7 =	simm.s32 @p2 $0x1082  }
0x22: {  	[simem:s7], [sflag:s8] =	dma.local @!p0 [hbm:s6], $0xF7A  }
0x23: {  	s9 =	sor.u32 $0xD0000000, s2;
	s6 =	simm.s32 $0x108;
	_ =	swait.ge @!p0 [sflag:s8], $0x0  }
0x24: {  	s3 =	sadd.s32 $0x88, s3;
	s6 =	simm.s32 @!p1 $0x1082;
	[sflag:s4] =	ssyncset.s32 $0xFFFFF086  }
0x25: {  	[simem:s6], [sflag:s4] =	dma.local [hbm:s3], $0xF7A  }
0x26: {  	[smem:$0x3F9E] =	sst s1;
	(tag) =	ssettag s2;
	_ =	strace s9  }
0x27: {  	s1 =	sld [smem:$0x3FAE]  }
0x28: {  	s2 =	sld [smem:$0x3FAF]  }
0x29: {  	s4 =	sld [smem:$0x3FB1]  }
0x2a: {  	p0 =	seq.s32 s5, $0x0;
	s5 =	sld [smem:$0x3FB2]  }
0x2b: {  	s6 =	sld [smem:$0x3FB3]  }
0x2c: {  	s7 =	sld [smem:$0x3FB4]  }
0x2d: {  	s3 =	simm.s32 $0x108;
	s8 =	sld [smem:$0x3FB5]  }
0x2e: {  	s3 =	simm.s32 @!p0 $0x1082;
	s9 =	sld [smem:$0x3FB6]  }
0x2f: {  	lr =	sadd.s32 s0, s3;
	s0 =	sld [smem:$0x3FAD]  }
0x30: {  	s3 =	sld [smem:$0x3FB0]  }
0x31: {  	[smem:$0x3FB9] =	sst s10  }
0x32: {  	s10 =	sld [smem:$0x3FB7];
	_ =	sdelay $0x3  }
0x33: {  	p0 =	seq.s32 s10, $0x1;
	s10 =	sld [smem:$0x3FB9];
	_ =	sdelay $0x3  }
0x34: {  	[smem:$0x3FB9] =	sst s10  }
0x35: {  	s10 =	sld [smem:$0x3FB8];
	_ =	sdelay $0x3  }
0x36: {  	p1 =	seq.s32 s10, $0x1;
	s10 =	sld [smem:$0x3FB9];
	_ =	sdelay $0x3  }
0x37: {  	[smem:$0x3FB9] =	sst s10  }
0x38: {  	s10 =	sld [smem:$0x3FBA]  }
0x39: {  	_ = 	snop;
	(pc) =	sbr.ind lr, $3  }
0x3a: {  	_ = 	snop  }
0x3b: {  	_ = 	snop  }
0x3c: {  	p2 =	seq.s32 s10, $0x1;
	s10 =	sld [smem:$0x3FB9]  }
0x3d: {  	_ =	shalt  }
0x3e: {  	_ =	shalt  }
0x3f: {  	_ =	shalt  }
0x40: {  	_ =	shalt  }
0x41: {  	_ =	shalt  }
0x42: {  	_ =	shalt  }
0x43: {  	_ =	shalt  }
0x44: {  	_ =	shalt  }
0x45: {  	_ =	shalt  }
0x46: {  	_ =	shalt  }
0x47: {  	_ =	shalt  }
0x48: {  	_ =	shalt  }
0x49: {  	_ =	shalt  }
0x4a: {  	_ =	shalt  }
0x4b: {  	_ =	shalt  }
0x4c: {  	_ =	shalt  }
0x4d: {  	_ =	shalt  }
0x4e: {  	_ =	shalt  }
0x4f: {  	_ =	shalt  }
0x50: {  	_ =	shalt  }
0x51: {  	_ =	shalt  }
0x52: {  	_ =	shalt  }
0x53: {  	_ =	shalt  }
0x54: {  	_ =	shalt  }
0x55: {  	_ =	shalt  }
0x56: {  	_ =	shalt  }
0x57: {  	_ =	shalt  }
0x58: {  	_ =	shalt  }
0x59: {  	_ =	shalt  }
0x5a: {  	_ =	shalt  }
0x5b: {  	_ =	shalt  }
0x5c: {  	_ =	shalt  }
0x5d: {  	_ =	shalt  }
0x5e: {  	_ =	shalt  }
0x5f: {  	_ =	shalt  }
0x60: {  	_ =	shalt  }
0x61: {  	_ =	shalt  }
0x62: {  	_ =	shalt  }
0x63: {  	_ =	shalt  }
0x64: {  	_ =	shalt  }
0x65: {  	_ =	shalt  }
0x66: {  	_ =	shalt  }
0x67: {  	_ =	shalt  }
0x68: {  	_ =	shalt  }
0x69: {  	_ =	shalt  }
0x6a: {  	_ =	shalt  }
0x6b: {  	_ =	shalt  }
0x6c: {  	_ =	shalt  }
0x6d: {  	_ =	shalt  }
0x6e: {  	_ =	shalt  }
0x6f: {  	_ =	shalt  }
0x70: {  	_ =	shalt  }
0x71: {  	_ =	shalt  }
0x72: {  	_ =	shalt  }
0x73: {  	_ =	shalt  }
0x74: {  	_ =	shalt  }
0x75: {  	_ =	shalt  }
0x76: {  	_ =	shalt  }
0x77: {  	_ =	shalt  }
0x78: {  	_ =	shalt  }
0x79: {  	_ =	shalt  }
0x7a: {  	_ =	shalt  }
0x7b: {  	_ =	shalt  }
0x7c: {  	_ =	shalt  }
0x7d: {  	_ =	shalt  }
0x7e: {  	_ =	shalt  }
0x7f: {  	_ =	shalt  }
0x80: {  	_ =	shalt  }
0x81: {  	_ =	shalt  }
0x82: {  	_ =	shalt  }
0x83: {  	_ =	shalt  }
0x84: {  	_ =	shalt  }
0x85: {  	_ =	shalt  }
0x86: {  	_ =	shalt  }
0x87: {  	_ =	shalt  }
.Lfunc_end0:
.L_simem_size_0:
called_computation_lowered:
.L_overlay_start_0:
0x88: {  	s2 =	sld [smem:$0x3FD9]  }
0x89: {  	s3 =	sld [smem:$0x3FFE];
	_ =	sdelay $0x1  }
0x8a: {  	s1 =	srdreg.scid  }
0x8b: {  	s0 =	sand.u32 $0x1, s1  }
0x8c: {  	s16 =	sshll.u32 s0, $0xA;
	s2 =	sadd.s32 s3, s2  }
0x8d: {  	s2 =	sadd.s32 s2, s16  }
0x8e: {  	[smem:$0x3FC5] =	sst s2  }
0x8f: {  	_ = 	snop  }
0x90: {  	(tm) =	ssettm $0x1  }
0x91: {  	s17 =	sld [smem:$0x3FFB];
	_ =	sdelay $0x3  }
0x92: {  	_ =	strace s17  }
0x93: {  	s2 =	sld [smem:$0x3FFC];
	_ =	sdelay $0x3  }
0x94: {  	_ =	strace s2  }
0x95: {  	s2 =	sld [smem:$0x3FFD];
	_ =	sdelay $0x3  }
0x96: {  	_ =	strace s2  }
0x97: {  	_ =	strace $0x8FFFFFFF  }
0x98: {  	s18 =	sld [smem:$0x3FDB];
	_ =	sdelay $0x1  }
0x99: {  	s19 =	simm.s32 $_scs_section_size  }
0x9a: {  	s4 =	simm.s32 $_size__tile_overlayer_lowered;
	s5 =	simm.s32 $_tile_overlayer_lowered  }
0x9b: {  	s22 =	simm.s32 $0x1BFF;
	s21 =	sshll.u32 s5, $0x1;
	s2 =	sadd.s32 s19, s18  }
0x9c: {  	s6 =	simm.s32 $0x0;
	s20 =	sshll.u32 s4, $0x1;
	s4 =	sadd.s32 s21, s2  }
0x9d: {  	[timem:s6], [sflag:s22] =	dma.local [hbm:s4], s20  }
0x9e: {  	_ =	swait.ge [sflag:s22], s20  }
0x9f: {  	s3 =	ssub.s32 $0x0, s20;
	[sflag:s22] =	ssyncset.done $0x0  }
0xa0: {  	[sflag:s22] =	ssyncadd.s32 s3;
	_ =	sdelay $0x1  }
0xa1: {  	s23 =	simm.s32 $0x1B8B  }
0xa2: {  	_ =	swait.ge [sflag:s23], $0x1  }
0xa3: {  	[sflag:s23] =	ssyncset.done $0x0  }
0xa4: {  	s25 =	simm.s32 $0x1B8E;
	s24 =	sld [smem:$0x3FFE];
	[sflag:s23] =	ssyncadd.s32 $0xFFFFFFFF  }
0xa5: {  	s26 =	simm.s32 $execute0_lowered;
	[smem:$0x3FD2] =	sst s25  }
0xa6: {  	s4 =	sshll.u32 s26, $0x1;
	_ =	strace $0x80000046;
	[dreg:$0x1] =	wrdreg $0xFFFFFFFF  }
0xa7: {  	s28 =	simm.s32 $_size_execute0_lowered;
	s2 =	sadd.s32 s2, s4;
	[dreg:$0x0] =	wrdreg $0x0  }
0xa8: {  	s4 =	sshll.u32 s28, $0x1;
	[dreg:$0x2] =	wrdreg s2  }
0xa9: {  	[dreg:$0x3] =	wrdreg s4  }
0xaa: {  	[dreg:$0x4] =	wrdreg $0xC0  }
0xab: {  	_ =	task [dreg:s6], $0x5FFFF  }
0xac: {  	[dreg:$0x1] =	wrdreg $0xFFFFFFFF  }
0xad: {  	[dreg:$0x0] =	wrdreg $0x60  }
0xae: {  	[dreg:$0x2] =	wrdreg s24  }
0xaf: {  	[dreg:$0x3] =	wrdreg $0x9  }
0xb0: {  	_ =	task.clear_ibuf [dreg:s6], $0x4FFFF;
	_ =	strace $0x90000046  }
0xb1: {  	s29 =	simm.s32 $0x9;
	_ =	strace $0x80000048  }
0xb2: {  	_ =	swait.ge [sflag:s29], $0x1  }
0xb3: {  	[sflag:s29] =	ssyncadd.s32 $0xFFFFFFFF  }
0xb4: {  	_ =	strace $0x90000048  }
0xb5: {  	_ =	sfence  }
0xb6: {  	s30 =	sld [smem:$0x0];
	_ =	sdelay $0x2  }
0xb7: {  	s31 =	sshll.u32 s1, $0xD;
	s1 =	sshrl.u32 s1, $0x2  }
0xb8: {  	s3 =	sand.u32 $0x4000, s31;
	s1 =	sadd.s32 s1, s30  }
0xb9: {  	s0 =	sor.u32 s3, s0;
	s1 =	sshll.u32 s1, $0x11  }
0xba: {  	s0 =	sor.u32 s1, s0  }
0xbb: {  	s0 =	sadd.s32 $0x8F2B, s0  }
0xbc: {  	[sflag:s0] =	ssyncadd.remote.s32 $0x1  }
0xbd: {  	_ =	sfence.sel $0xFFFF  }
0xbe: {  	[dreg:$0x0] =	wrdreg $0xFFFFFFFF;
	(pc) =	sbr.abs _section_cstart, $3  }
0xbf: {  	[dreg:$0x1] =	wrdreg $0xFFFFFFFF  }
0xc0: {  	_ =	task.clear_ibuf [dreg:s6], $0x2FFFF;
	_ =	strace $0x9FFFFFFF  }
0xc1: {  	(tm) =	ssettm $0x7FFFFFFF  }
tec
execute0_lowered:
.L_overlay_start_1:
0x0: {  	(tag) =	ssettag $0x1  }
0x1: {  	s1 =	srdreg.scid;
	s0 =	stileid.u32  }
0x2: {  	s6 =	rddreg [dreg:$0x0];
	s2 =	simm.s32 $0x0;
	s9 =	simm.s32 $0x4800  }
0x3: {  	s10 =	simm.s32 $0x80;
	s3 =	sand.u32 $0x1, s1;
	s28 =	sshll.u32 s0, $0x1  }
0x4: {  	s11 =	simm.s32 $0x400;
	s29 =	sshrl.u32 s0, $0x3;
	s4 =	sor.u32 s3, s28  }
0x5: {  	s12 =	simm.s32 $0x0;
	s7 =	smul.u32 $0x24000, s29;
	s1 =	sand.u32 $0xF, s4  }
0x6: {  	[smem:$0x7FF] =	sst s2;
	s8 =	sshll.u32 s0, $0x6;
	s5 =	smul.u32 $0x2400, s1  }
0x7: {  	s8 =	sand.u32 $0x300, s8;
	s3 =	ssub.s32 $0x2, s3;
	s4 =	sshll.u32 s4, $0x4  }
0x8: {  	s30 =	sshrl.u32 s3, $0x1;
	s1 =	rddreg [dreg:$0x1];
	s7 =	sadd.s32 s7, s5  }
0x9: {  	_ =	strace $0x80000047;
	s5 =	sshrl.u32 s5, $0x3;
	s7 =	sshrl.u32 s7, $0x3  }
0xa: {  	s4 =	sand.u32 $0x70, s4;
	s5 =	sadd.s32 s5, s6;
	s7 =	sadd.s32 s7, s6  }
0xb: {  	s6 =	sadd.s32 s8, s6;
	s8 =	ssub.s32 s3, s30;
	s3 =	sadd.s32 $0x2000, s5  }
0xc: {  	s31 =	sadd.s32 s4, s6;
	s4 =	sadd.s32 $0x96800, s7;
	s6 =	smax.u32 s8, $0x1  }
0xd: {  	v0 =	vimm.f32 $0.0e+00;
	s7 =	simm.s32 $0x1;
	s8 =	simm.s32 $0x2400;
	s5 =	sadd.s32 $0x9F800, s31  }
.LBB2_1:
0xe: {  	[tilespmem:s2], [sflag:$0x1] =	stream.linear.gather [hbm4b:s3+s2], $0x2400, $0x38;
	[tilespmem:$0x4900] =	vst v63  }
0xf: {  	_ =	swait.ge [sflag:s7], $0x2400  }
0x10: {  	[sflag:s7] =	ssyncset.done $0x0  }
0x11: {  	[sflag:s7] =	ssyncadd.s32 $0xFFFFDC00  }
0x12: {  	[tilespmem:s8], [sflag:$0x1] =	stream.linear.gather [hbm4b:s4+s2], $0x2400, $0x38;
	[tilespmem:$0x4900] =	vst v63  }
0x13: {  	_ =	swait.ge [sflag:s7], $0x2400  }
0x14: {  	[sflag:s7] =	ssyncset.done $0x0  }
0x15: {  	[sflag:s7] =	ssyncadd.s32 $0xFFFFDC00  }
0x16: {  	[tilespmem:$0x4800] =	vst v0  }
0x17: {  	[tilespmem:$0x4810] =	vst v0  }
0x18: {  	[tilespmem:$0x4820] =	vst v0  }
0x19: {  	[tilespmem:$0x4830] =	vst v0  }
0x1a: {  	[tilespmem:$0x4840] =	vst v0  }
0x1b: {  	[tilespmem:$0x4850] =	vst v0  }
0x1c: {  	[tilespmem:$0x4860] =	vst v0  }
0x1d: {  	[tilespmem:$0x4870] =	vst v0  }
0x1e: {  	[tilespmem:$0x4880] =	vst v0  }
0x1f: {  	[tilespmem:$0x4890] =	vst v0  }
0x20: {  	[tilespmem:$0x48A0] =	vst v0  }
0x21: {  	s13 =	simm.s32 $0x0;
	s14 =	simm.s32 $0x0;
	[tilespmem:$0x48B0] =	vst v0  }
.LBB2_2:
0x22: {  	s15 =	sshrl.u32 s14, $0x3  }
0x23: {  	s15 =	smul.u32 $0xC00, s15  }
0x24: {  	s16 =	sand.u32 $0x380, s13  }
0x25: {  	s15 =	sor.u32 s16, s15  }
0x26: {  	v1 =	vld [tilespmem:s15+$0x0];
	_ =	sdelay $0x2  }
0x27: {  	v2 =	vld [tilespmem:s15+$0x2400];
	_ =	sdelay $0x4  }
0x28: {  	[tilespmem:v1+s9+$0x0] =	vst.idx.add.f32.msk $0xffff, v2  }
0x29: {  	v1 =	vld [tilespmem:s15+$0x10];
	_ =	sdelay $0x2  }
0x2a: {  	v2 =	vld [tilespmem:s15+$0x2410];
	_ =	sdelay $0x4  }
0x2b: {  	[tilespmem:v1+s9+$0x0] =	vst.idx.add.f32.msk $0xffff, v2  }
0x2c: {  	v1 =	vld [tilespmem:s15+$0x20];
	_ =	sdelay $0x2  }
0x2d: {  	v2 =	vld [tilespmem:s15+$0x2420];
	_ =	sdelay $0x4  }
0x2e: {  	[tilespmem:v1+s9+$0x0] =	vst.idx.add.f32.msk $0xffff, v2  }
0x2f: {  	v1 =	vld [tilespmem:s15+$0x30];
	_ =	sdelay $0x2  }
0x30: {  	v2 =	vld [tilespmem:s15+$0x2430];
	_ =	sdelay $0x4  }
0x31: {  	[tilespmem:v1+s9+$0x0] =	vst.idx.add.f32.msk $0xffff, v2  }
0x32: {  	v1 =	vld [tilespmem:s15+$0x40];
	_ =	sdelay $0x2  }
0x33: {  	v2 =	vld [tilespmem:s15+$0x2440];
	_ =	sdelay $0x4  }
0x34: {  	[tilespmem:v1+s9+$0x0] =	vst.idx.add.f32.msk $0xffff, v2  }
0x35: {  	v1 =	vld [tilespmem:s15+$0x50];
	_ =	sdelay $0x2  }
0x36: {  	v2 =	vld [tilespmem:s15+$0x2450];
	_ =	sdelay $0x4  }
0x37: {  	[tilespmem:v1+s9+$0x0] =	vst.idx.add.f32.msk $0xffff, v2  }
0x38: {  	v1 =	vld [tilespmem:s15+$0x60];
	_ =	sdelay $0x2  }
0x39: {  	v2 =	vld [tilespmem:s15+$0x2460];
	_ =	sdelay $0x4  }
0x3a: {  	[tilespmem:v1+s9+$0x0] =	vst.idx.add.f32.msk $0xffff, v2  }
0x3b: {  	v1 =	vld [tilespmem:s15+$0x70];
	_ =	sdelay $0x2  }
0x3c: {  	v2 =	vld [tilespmem:s15+$0x2470];
	_ =	sdelay $0x4  }
0x3d: {  	[tilespmem:v1+s9+$0x0] =	vst.idx.add.f32.msk $0xffff, v2  }
0x3e: {  	v1 =	vld [tilespmem:s15+$0x400];
	_ =	sdelay $0x2  }
0x3f: {  	v2 =	vld [tilespmem:s15+$0x2800];
	_ =	sdelay $0x4  }
0x40: {  	[tilespmem:v1+s9+$0x0] =	vst.idx.add.f32.msk $0xffff, v2  }
0x41: {  	v1 =	vld [tilespmem:s15+$0x410];
	_ =	sdelay $0x2  }
0x42: {  	v2 =	vld [tilespmem:s15+$0x2810];
	_ =	sdelay $0x4  }
0x43: {  	[tilespmem:v1+s9+$0x0] =	vst.idx.add.f32.msk $0xffff, v2  }
0x44: {  	v1 =	vld [tilespmem:s15+$0x420];
	_ =	sdelay $0x2  }
0x45: {  	v2 =	vld [tilespmem:s15+$0x2820];
	_ =	sdelay $0x4  }
0x46: {  	[tilespmem:v1+s9+$0x0] =	vst.idx.add.f32.msk $0xffff, v2  }
0x47: {  	v1 =	vld [tilespmem:s15+$0x430];
	_ =	sdelay $0x2  }
0x48: {  	v2 =	vld [tilespmem:s15+$0x2830];
	_ =	sdelay $0x4  }
0x49: {  	[tilespmem:v1+s9+$0x0] =	vst.idx.add.f32.msk $0xffff, v2  }
0x4a: {  	v1 =	vld [tilespmem:s15+$0x440];
	_ =	sdelay $0x2  }
0x4b: {  	v2 =	vld [tilespmem:s15+$0x2840];
	_ =	sdelay $0x4  }
0x4c: {  	[tilespmem:v1+s9+$0x0] =	vst.idx.add.f32.msk $0xffff, v2  }
0x4d: {  	v1 =	vld [tilespmem:s15+$0x450];
	_ =	sdelay $0x2  }
0x4e: {  	v2 =	vld [tilespmem:s15+$0x2850];
	_ =	sdelay $0x4  }
0x4f: {  	[tilespmem:v1+s9+$0x0] =	vst.idx.add.f32.msk $0xffff, v2  }
0x50: {  	v1 =	vld [tilespmem:s15+$0x460];
	_ =	sdelay $0x2  }
0x51: {  	v2 =	vld [tilespmem:s15+$0x2860];
	_ =	sdelay $0x4  }
0x52: {  	[tilespmem:v1+s9+$0x0] =	vst.idx.add.f32.msk $0xffff, v2  }
0x53: {  	v1 =	vld [tilespmem:s15+$0x470];
	_ =	sdelay $0x2  }
0x54: {  	v2 =	vld [tilespmem:s15+$0x2870];
	_ =	sdelay $0x4  }
0x55: {  	[tilespmem:v1+s9+$0x0] =	vst.idx.add.f32.msk $0xffff, v2  }
0x56: {  	v1 =	vld [tilespmem:s15+$0x800];
	_ =	sdelay $0x2  }
0x57: {  	v2 =	vld [tilespmem:s15+$0x2C00];
	_ =	sdelay $0x4  }
0x58: {  	[tilespmem:v1+s9+$0x0] =	vst.idx.add.f32.msk $0xffff, v2  }
0x59: {  	v1 =	vld [tilespmem:s15+$0x810];
	_ =	sdelay $0x2  }
0x5a: {  	v2 =	vld [tilespmem:s15+$0x2C10];
	_ =	sdelay $0x4  }
0x5b: {  	[tilespmem:v1+s9+$0x0] =	vst.idx.add.f32.msk $0xffff, v2  }
0x5c: {  	v1 =	vld [tilespmem:s15+$0x820];
	_ =	sdelay $0x2  }
0x5d: {  	v2 =	vld [tilespmem:s15+$0x2C20];
	_ =	sdelay $0x4  }
0x5e: {  	[tilespmem:v1+s9+$0x0] =	vst.idx.add.f32.msk $0xffff, v2  }
0x5f: {  	v1 =	vld [tilespmem:s15+$0x830];
	_ =	sdelay $0x2  }
0x60: {  	v2 =	vld [tilespmem:s15+$0x2C30];
	_ =	sdelay $0x4  }
0x61: {  	[tilespmem:v1+s9+$0x0] =	vst.idx.add.f32.msk $0xffff, v2  }
0x62: {  	v1 =	vld [tilespmem:s15+$0x840];
	_ =	sdelay $0x2  }
0x63: {  	v2 =	vld [tilespmem:s15+$0x2C40];
	_ =	sdelay $0x4  }
0x64: {  	[tilespmem:v1+s9+$0x0] =	vst.idx.add.f32.msk $0xffff, v2  }
0x65: {  	v1 =	vld [tilespmem:s15+$0x850];
	_ =	sdelay $0x2  }
0x66: {  	v2 =	vld [tilespmem:s15+$0x2C50];
	_ =	sdelay $0x4  }
0x67: {  	[tilespmem:v1+s9+$0x0] =	vst.idx.add.f32.msk $0xffff, v2  }
0x68: {  	v1 =	vld [tilespmem:s15+$0x860];
	_ =	sdelay $0x2  }
0x69: {  	v2 =	vld [tilespmem:s15+$0x2C60];
	_ =	sdelay $0x4  }
0x6a: {  	[tilespmem:v1+s9+$0x0] =	vst.idx.add.f32.msk $0xffff, v2  }
0x6b: {  	v1 =	vld [tilespmem:s15+$0x870];
	_ =	sdelay $0x2  }
0x6c: {  	p0 =	sne.s32 s14, $0x17;
	v2 =	vld [tilespmem:s15+$0x2C70]  }
.Ltmp0:
0x6d: {  	_ = 	snop;
	(pc) =	sbr.rel @p0 .LBB2_2-.Ltmp0, $2  }
0x6e: {  	_ =	sdelay $0x2  }
0x6f: {  	s13 =	sadd.s32 $0x80, s13;
	s14 =	sadd.s32 $0x1, s14;
	[tilespmem:v1+s9+$0x0] =	vst.idx.add.f32.msk $0xffff, v2  }
0x70: {  	s12 =	sadd.s32 $0x1, s12  }
0x71: {  	p0 =	sne.s32 s12, s6  }
.Ltmp1:
0x72: {  	_ = 	snop;
	(pc) =	sbr.rel @p0 .LBB2_1-.Ltmp1, $4  }
0x73: {  	[hbm4b:s5+s10] =	stream.strided.scatter [tilespmem:s9], [sflag:$0x1], $0x100, s11, s10, $0x38;
	[tilespmem:$0x4900] =	vst v63  }
0x74: {  	_ =	swait.ge [sflag:s7], $0x100  }
0x75: {  	[sflag:s7] =	ssyncset.done $0x0  }
0x76: {  	[sflag:s7] =	ssyncadd.s32 $0xFFFFFF00  }
0x77: {  	_ =	sfence.sel $0x180000  }
0x78: {  	[bflag:$0x0] =	sbarrier.arrive $0xFFFF  }
0x79: {  	p0 =	sne.s32 s0, $0x0;
	_ =	strace $0x90000047  }
0x7a: {  	s0 =	sadd.s32 @!p0 $0x100000, s1;
	[bflag:$0x2] =	sbarrier.arrive $0xFFFF  }
0x7b: {  	[sflag:s0] =	ssyncadd.tile.s32 @!p0 $0x1;
	_ =	shalt  }
.Lfunc_end2:
_tile_overlayer_lowered:
.L_overlay_start_2:
0x7c: {  	(tag) =	ssettag $0x2  }
0x7d: {  	s0 =	rddreg [dreg:$0x0];
	s2 =	stileid.u32  }
0x7e: {  	s1 =	rddreg [dreg:$0x1];
	p0 =	sne.s32 s2, $0x0  }
0x7f: {  	s3 =	rddreg [dreg:$0x2];
	[bflag:$0x3] =	sbarrier.arrive $0xFFFF;
	s2 =	simm.s32 @!p0 $0x1C01  }
0x80: {  	[timem:s3], [sflag:s2] =	dma.local @!p0 [hbm:s0], s1  }
0x81: {  	s0 =	simm.s32 @!p0 $0x1  }
0x82: {  	_ =	swait.ge @!p0 [sflag:s0], s1  }
0x83: {  	s1 =	ssub.s32 @!p0 $0x0, s1;
	[sflag:s0] =	ssyncset.done @!p0 $0x0  }
0x84: {  	[sflag:s0] =	ssyncadd.s32 @!p0 s1  }
0x85: {  	[bflag:$0x3] =	sbarrier.arrive $0xFFFF  }
0x86: {  	_ =	shalt  }

</sc_bundles>
